<compile_context>
chip_gen: v7x
topology: tpu7x:2x2x1
jax: 0.10.2.dev20260603
libtpu: 0.0.44.dev20260713+nightly
codegen_flags: <defaults>
</compile_context>

<pallas_src>
import dataclasses

import jax
import jax.numpy as jnp
from jax import lax
from jax.experimental import pallas as pl
from jax.experimental.pallas import tpu as pltpu
from jax.experimental.pallas import tpu_sc as plsc

_N = 10000
_E = 320000
_D = 128
_NC = 2
_NS = 16
_NW = _NC * _NS
_EPW = _E // _NW
_K = 80
_NCHUNK = _EPW // _K
_L = 16
_NT = 10112
_STRIPE = _NT // _NS
_DCH = 2000


def _loop(n, body):
    lax.fori_loop(jnp.int32(0), jnp.int32(n),
                  lambda i, c: (body(i), c)[1], jnp.int32(0))


def _mesh():
    return plsc.VectorSubcoreMesh(core_axis_name="c", subcore_axis_name="s",
                                  num_cores=_NC, num_subcores=_NS)


def _sc_params():
    cp = pltpu.CompilerParams()
    if "needs_layout_passes" in pltpu.CompilerParams.__dataclass_fields__:
        cp = dataclasses.replace(cp, needs_layout_passes=False)
    return cp


def _deg_body(src_hbm, dst_hbm, cnt_out_hbm, cnt_in_hbm,
              srcv, dstv, hout, hin):
    c = lax.axis_index("c")
    s = lax.axis_index("s")
    w = c * jnp.int32(_NS) + s
    base = w * jnp.int32(_EPW)

    def _zero(i):
        sl = pl.ds(i * jnp.int32(_L), _L)
        z = jnp.zeros((_L,), jnp.float32)
        hout[sl] = z
        hin[sl] = z
    _loop(_NT // _L, _zero)

    pltpu.sync_copy(src_hbm.at[pl.ds(base, _EPW)], srcv)
    pltpu.sync_copy(dst_hbm.at[pl.ds(base, _EPW)], dstv)

    ones = jnp.ones((_L,), jnp.float32)

    def _chunk(i):
        sl = pl.ds(i * jnp.int32(_L), _L)
        sv = srcv[sl]
        dv = dstv[sl]
        m = sv == dv
        plsc.addupdate_scatter(hout, [jnp.where(m, jnp.int32(_N), sv)], ones)
        plsc.addupdate_scatter(hin, [jnp.where(m, jnp.int32(_N), dv)], ones)
    _loop(_EPW // _L, _chunk)

    pltpu.sync_copy(hout, cnt_out_hbm.at[pl.ds(w * jnp.int32(_NT), _NT)])
    pltpu.sync_copy(hin, cnt_in_hbm.at[pl.ds(w * jnp.int32(_NT), _NT)])


def _msg_body(src_hbm, dst_hbm, y_hbm, acc_hbm,
              srcv, dstv, dpv, rows_a, rows_b, acc, sem_a, sem_b, sem_d):
    c = lax.axis_index("c")
    s = lax.axis_index("s")
    base = (c * jnp.int32(_NS) + s) * jnp.int32(_EPW)
    r0 = s * jnp.int32(_STRIPE)

    def _zlane(i):
        r = i // jnp.int32(_D // _L)
        col = (i % jnp.int32(_D // _L)) * jnp.int32(_L)
        rows_a[r, pl.ds(col, _L)] = jnp.zeros((_L,), jnp.float32)
    _loop(_K * (_D // _L), _zlane)

    def _zcopy(i):
        pltpu.async_copy(rows_a, acc.at[pl.ds(r0 + i * jnp.int32(_K), _K)],
                         sem_d)

    def _zcopy_wait(i):
        pltpu.make_async_copy(rows_a,
                              acc.at[pl.ds(r0, _K)], sem_d).wait()
    _loop(jnp.int32(_STRIPE // _K), _zcopy)
    pltpu.sync_copy(src_hbm.at[pl.ds(base, _EPW)], srcv)

    npk = jnp.int32(_K // _L)

    def _stage(j):
        off = j * jnp.int32(_DCH)
        pltpu.sync_copy(dst_hbm.at[pl.ds(base + off, _DCH)], dstv)

        def _mask(i):
            k = off + i * jnp.int32(_L)
            r = k // jnp.int32(_K)
            col = k % jnp.int32(_K)
            sv = srcv[pl.ds(k, _L)]
            dv = dstv[pl.ds(i * jnp.int32(_L), _L)]
            dpv[r, pl.ds(col, _L)] = jnp.where(sv == dv, jnp.int32(_N), dv)
        _loop(_DCH // _L, _mask)
    _loop(_EPW // _DCH, _stage)

    _loop(jnp.int32(_STRIPE // _K), _zcopy_wait)
    pltpu.sync_copy(rows_a.at[pl.ds(jnp.int32(0), _STRIPE - (_STRIPE // _K) * _K)],
                    acc.at[pl.ds(r0 + jnp.int32((_STRIPE // _K) * _K),
                                 _STRIPE - (_STRIPE // _K) * _K)])
    plsc.subcore_barrier()

    def _gather(ci, buf, sem):
        pltpu.async_copy(y_hbm.at[srcv.at[pl.ds(ci * jnp.int32(_K), _K)]],
                         buf, sem)

    def _wait(buf, sem):
        pltpu.make_async_copy(y_hbm.at[srcv.at[pl.ds(jnp.int32(0), _K)]],
                              buf, sem).wait()

    def _scatter(ci, buf):
        pltpu.sync_copy(buf, acc.at[dpv.at[ci]], add=True)

    _gather(jnp.int32(0), rows_a, sem_a)

    def _pair(g):
        ci = g * jnp.int32(2)
        _wait(rows_a, sem_a)
        _gather(ci + jnp.int32(1), rows_b, sem_b)
        _scatter(ci, rows_a)
        _wait(rows_b, sem_b)

        @pl.when(ci + jnp.int32(2) < jnp.int32(_NCHUNK))
        def _():
            _gather(ci + jnp.int32(2), rows_a, sem_a)
        _scatter(ci + jnp.int32(1), rows_b)
    _loop(_NCHUNK // 2, _pair)

    _wait(rows_a, sem_a)
    _scatter(jnp.int32(_NCHUNK - 1), rows_a)

    plsc.subcore_barrier()
    pltpu.sync_copy(acc.at[pl.ds(r0, _STRIPE)],
                    acc_hbm.at[c, pl.ds(r0, _STRIPE)])


def _mm_body(x_ref, w_ref, xw_ref):
    xw_ref[...] = jnp.dot(x_ref[...], w_ref[...],
                          preferred_element_type=jnp.float32)


def _scale_body(xw_ref, cnt_ref, y_ref):
    deg = jnp.sum(cnt_ref[...], axis=0)[: _N, None] + 1.0
    y_ref[...] = xw_ref[...] * lax.rsqrt(deg)


def _fin_body(acc_ref, y_ref, cnt_ref, b_ref, o_ref):
    tot = acc_ref[0, : _N, :] + acc_ref[1, : _N, :] + y_ref[...]
    deg = jnp.sum(cnt_ref[...], axis=0)[: _N, None] + 1.0
    o_ref[...] = tot * lax.rsqrt(deg) + b_ref[...]


def _deg_call(src, dst):
    deg_k = pl.kernel(
        _deg_body,
        out_type=[jax.ShapeDtypeStruct((_NW * _NT,), jnp.float32),
                  jax.ShapeDtypeStruct((_NW * _NT,), jnp.float32)],
        mesh=_mesh(),
        compiler_params=_sc_params(),
        scratch_types=[
            pltpu.VMEM((_EPW,), jnp.int32),
            pltpu.VMEM((_EPW,), jnp.int32),
            pltpu.VMEM((_NT,), jnp.float32),
            pltpu.VMEM((_NT,), jnp.float32),
        ],
    )
    co, ci = deg_k(src, dst)
    return co.reshape(_NW, _NT), ci.reshape(_NW, _NT)


def _msg_call(src, dst, y):
    msg_k = pl.kernel(
        _msg_body,
        out_type=jax.ShapeDtypeStruct((_NC, _NT, _D), jnp.float32),
        mesh=_mesh(),
        scratch_types=[
            pltpu.VMEM((_EPW,), jnp.int32),
            pltpu.VMEM((_DCH,), jnp.int32),
            pltpu.VMEM((_NCHUNK, _K), jnp.int32),
            pltpu.VMEM((_K, _D), jnp.float32),
            pltpu.VMEM((_K, _D), jnp.float32),
            pltpu.VMEM_SHARED((_NT, _D), jnp.float32),
            pltpu.SemaphoreType.DMA,
            pltpu.SemaphoreType.DMA,
            pltpu.SemaphoreType.DMA,
        ],
    )
    return msg_k(src, dst, y)


def kernel(x, edge_index, W, b):
    src = edge_index[0].astype(jnp.int32)
    dst = edge_index[1].astype(jnp.int32)
    cnt_out, cnt_in = _deg_call(src, dst)
    xw = pl.pallas_call(
        _mm_body,
        out_shape=jax.ShapeDtypeStruct((_N, _D), jnp.float32),
    )(x, W)
    y = pl.pallas_call(
        _scale_body,
        out_shape=jax.ShapeDtypeStruct((_N, _D), jnp.float32),
    )(xw, cnt_out)
    acc = _msg_call(src, dst, y)
    out = pl.pallas_call(
        _fin_body,
        out_shape=jax.ShapeDtypeStruct((_N, _D), jnp.float32),
    )(acc, y, cnt_in, b.reshape(1, _D))
    return out

# --- scband reference (transcript-rebuilt; emitter-appended) ---
"""Pipeline reference for scband-fixed-gcn-76776835383639 (READ-ONLY COPY).

The authoritative reference and input builder live on the scoring server;
editing this copy changes nothing except your own understanding.
"""

import jax
jax.config.update('jax_enable_x64', True)
import jax.numpy as jnp
import numpy as np

N = 10000
E = 320000
D_IN = 128
D_OUT = 128


def setup_inputs(seed: int = 0) -> dict:
    key = jax.random.key(seed)
    k1, k2, k3, k4 = jax.random.split(key, 4)
    x = jax.random.normal(k1, (N, D_IN), dtype=jnp.float32)
    edge_index = jax.random.randint(k2, (2, E), 0, N, dtype=jnp.int64)
    # glorot-initialized linear weight (in_channels, out_channels), no bias in lin
    limit = float(np.sqrt(6.0 / (D_IN + D_OUT)))
    W = jax.random.uniform(k3, (D_IN, D_OUT), dtype=jnp.float32, minval=-limit, maxval=limit)
    # bias param (initialized to zeros in module; use zeros for fidelity)
    b = jnp.zeros((D_OUT,), dtype=jnp.float32)
    return {"x": x, "edge_index": edge_index, "W": W, "b": b}


def reference(x, edge_index, W, b):
    src, dst = edge_index[0], edge_index[1]
    # add_remaining_self_loops: drop existing self loops, append one per node (fill_value=1.0)
    mask = src != dst
    loop = jnp.arange(N, dtype=src.dtype)
    src = jnp.concatenate([src, loop])
    dst = jnp.concatenate([dst, loop])
    w = jnp.concatenate([mask.astype(jnp.float32), jnp.ones((N,), dtype=jnp.float32)])
    # fixed gcn_norm: out-degree from src, in-degree from dst
    out_deg = jnp.zeros((N,), dtype=jnp.float32).at[src].add(w)
    in_deg = jnp.zeros((N,), dtype=jnp.float32).at[dst].add(w)
    out_inv = jnp.where(out_deg > 0, out_deg ** -0.5, 0.0)
    in_inv = jnp.where(in_deg > 0, in_deg ** -0.5, 0.0)
    norm = in_inv[dst] * w * out_inv[src]
    # linear transform then message passing (gather from src, scatter-add to dst)
    xw = x @ W
    msgs = norm[:, None] * jnp.take(xw, src, axis=0)
    out = jnp.zeros((N, D_OUT), dtype=jnp.float32).at[dst].add(msgs)
    return out + b

if __name__ == "__main__":
    import jax
    _d = setup_inputs()
    print(jax.jit(kernel)(*tuple(_d.values())))

</pallas_src>

<mosaic_0001>
#map = affine_map<(d0, d1) -> (0)>
#map1 = affine_map<(d0, d1) -> (0, 0)>
#map2 = affine_map<(d0, d1) -> (0, 0, 0)>
module attributes {stable_mosaic.version = 14 : i64} {
  func.func @_msg_body(%arg0: i32, %arg1: i32, %arg2: memref<320000xi32, #tpu.memory_space<hbm>>, %arg3: memref<320000xi32, #tpu.memory_space<hbm>>, %arg4: memref<10000x128xf32, #tpu.memory_space<hbm>>, %arg5: memref<2x10112x128xf32, #tpu.memory_space<hbm>>, %arg6: memref<10000xi32, #tpu.memory_space<vmem>>, %arg7: memref<2000xi32, #tpu.memory_space<vmem>>, %arg8: memref<125x80xi32, #tpu.memory_space<vmem>>, %arg9: memref<80x128xf32, #tpu.memory_space<vmem>>, %arg10: memref<80x128xf32, #tpu.memory_space<vmem>>, %arg11: memref<10112x128xf32, #tpu.memory_space<vmem_shared>>, %arg12: memref<!tpu.dma_semaphore, #tpu.memory_space<semaphore_mem>>, %arg13: memref<!tpu.dma_semaphore, #tpu.memory_space<semaphore_mem>>, %arg14: memref<!tpu.dma_semaphore, #tpu.memory_space<semaphore_mem>>) attributes {dimension_semantics = [#tpu.dimension_semantics<core_parallel>, #tpu.dimension_semantics<subcore_parallel>], iteration_bounds = array<i64: 2, 16>, scalar_prefetch = 0 : i64, scratch_operands = 9 : i64, tpu.core_type = #tpu.core_type<sc_vector_subcore>, window_params = [{transform_indices = #map}, {transform_indices = #map}, {transform_indices = #map1}, {transform_indices = #map2}]} {
    %mul3A = arith.constant 16 : i32
    %mul3A_0 = arith.muli %arg0, %mul3A : i32
    %add3A = arith.addi %mul3A_0, %arg1 : i32
    %mul3A_1 = arith.constant 10000 : i32
    %mul3A_2 = arith.muli %add3A, %mul3A_1 : i32
    %mul3A_3 = arith.constant 632 : i32
    %mul3A_4 = arith.muli %arg1, %mul3A_3 : i32
    %while3A = arith.constant 0 : i32
    %while3A_5 = arith.constant 0 : i32
    %while3A_6 = arith.constant 640 : i32
    %while3A_7 = arith.subi %while3A_6, %while3A_5 : i32
    %while3A_8 = arith.addi %while3A_5, %while3A_7 : i32
    %while3A_9 = arith.constant 1 : i32
    %while3A_10 = arith.divsi %while3A_7, %while3A_9 : i32
    %while3A_11 = arith.muli %while3A_10, %while3A_9 : i32
    %while3A_12 = arith.addi %while3A_5, %while3A_11 : i32
    %while3A_13 = arith.constant 1 : i32
    scf.for %while3A_73 = %while3A_5 to %while3A_12 step %while3A_13  : i32 {
      %jit3A = arith.constant 8 : i32
      %div3A = arith.divsi %while3A_73, %jit3A : i32
      %sign3A = arith.constant 0 : i32
      %sign3A_74 = arith.cmpi sgt, %while3A_73, %sign3A : i32
      %sign3A_75 = arith.extui %sign3A_74 : i1 to i32
      %sign3A_76 = arith.constant 0 : i32
      %sign3A_77 = arith.cmpi slt, %while3A_73, %sign3A_76 : i32
      %sign3A_78 = arith.extui %sign3A_77 : i1 to i32
      %sign3A_79 = arith.subi %sign3A_75, %sign3A_78 : i32
      %sign3A_80 = arith.constant 0 : i32
      %sign3A_81 = arith.cmpi sgt, %jit3A, %sign3A_80 : i32
      %sign3A_82 = arith.extui %sign3A_81 : i1 to i32
      %sign3A_83 = arith.constant 0 : i32
      %sign3A_84 = arith.cmpi slt, %jit3A, %sign3A_83 : i32
      %sign3A_85 = arith.extui %sign3A_84 : i1 to i32
      %sign3A_86 = arith.subi %sign3A_82, %sign3A_85 : i32
      %ne3A = arith.cmpi ne, %sign3A_79, %sign3A_86 : i32
      %rem3A = arith.remsi %while3A_73, %jit3A : i32
      %ne3A_87 = arith.constant 0 : i32
      %ne3A_88 = arith.cmpi ne, %rem3A, %ne3A_87 : i32
      %and3A = arith.andi %ne3A, %ne3A_88 : i1
      %sub3A = arith.constant 1 : i32
      %sub3A_89 = arith.subi %div3A, %sub3A : i32
      %select_n3A = arith.select %and3A, %sub3A_89, %div3A : i32
      %jit3A_90 = arith.constant 8 : i32
      %eq3A = arith.constant 0 : i32
      %eq3A_91 = arith.cmpi eq, %jit3A_90, %eq3A : i32
      %jit3A_92 = arith.constant 1 : i32
      %select_n3A_93 = arith.select %eq3A_91, %jit3A_92, %jit3A_90 : i32
      %rem3A_94 = arith.remsi %while3A_73, %select_n3A_93 : i32
      %ne3A_95 = arith.constant 0 : i32
      %ne3A_96 = arith.cmpi ne, %rem3A_94, %ne3A_95 : i32
      %lt3A = arith.constant 0 : i32
      %lt3A_97 = arith.cmpi slt, %rem3A_94, %lt3A : i32
      %lt3A_98 = arith.constant 0 : i32
      %lt3A_99 = arith.cmpi slt, %select_n3A_93, %lt3A_98 : i32
      %ne3A_100 = arith.xori %lt3A_97, %lt3A_99 : i1
      %and3A_101 = arith.andi %ne3A_100, %ne3A_96 : i1
      %add3A_102 = arith.addi %rem3A_94, %select_n3A_93 : i32
      %select_n3A_103 = arith.select %and3A_101, %add3A_102, %rem3A_94 : i32
      %mul3A_104 = arith.constant 16 : i32
      %mul3A_105 = arith.muli %select_n3A_103, %mul3A_104 : i32
      %broadcast_in_dim3A = arith.constant 0.000000e+00 : f32
      %broadcast_in_dim3A_106 = vector.broadcast %broadcast_in_dim3A : f32 to vector<16xf32>
      %swap3A = arith.index_cast %select_n3A : i32 to index
      %swap3A_107 = arith.index_cast %mul3A_105 : i32 to index
      %swap3A_108 = tpu.vector_load %arg9[%swap3A, %swap3A_107] {strides = array<i32>} : memref<80x128xf32, #tpu.memory_space<vmem>>, vector<1x16xf32>,
      %swap3A_109 = vector.shape_cast %swap3A_108 : vector<1x16xf32> to vector<16xf32>
      %swap3A_110 = vector.shape_cast %broadcast_in_dim3A_106 : vector<16xf32> to vector<1x16xf32>
      tpu.vector_store %arg9[%swap3A, %swap3A_107], %swap3A_110 {strides = array<i32>} : memref<80x128xf32, #tpu.memory_space<vmem>>, vector<1x16xf32>,
    }
    %while3A_14 = arith.constant 1 : i32
    scf.for %while3A_73 = %while3A_12 to %while3A_8 step %while3A_14  : i32 {
      %jit3A = arith.constant 8 : i32
      %div3A = arith.divsi %while3A_73, %jit3A : i32
      %sign3A = arith.constant 0 : i32
      %sign3A_74 = arith.cmpi sgt, %while3A_73, %sign3A : i32
      %sign3A_75 = arith.extui %sign3A_74 : i1 to i32
      %sign3A_76 = arith.constant 0 : i32
      %sign3A_77 = arith.cmpi slt, %while3A_73, %sign3A_76 : i32
      %sign3A_78 = arith.extui %sign3A_77 : i1 to i32
      %sign3A_79 = arith.subi %sign3A_75, %sign3A_78 : i32
      %sign3A_80 = arith.constant 0 : i32
      %sign3A_81 = arith.cmpi sgt, %jit3A, %sign3A_80 : i32
      %sign3A_82 = arith.extui %sign3A_81 : i1 to i32
      %sign3A_83 = arith.constant 0 : i32
      %sign3A_84 = arith.cmpi slt, %jit3A, %sign3A_83 : i32
      %sign3A_85 = arith.extui %sign3A_84 : i1 to i32
      %sign3A_86 = arith.subi %sign3A_82, %sign3A_85 : i32
      %ne3A = arith.cmpi ne, %sign3A_79, %sign3A_86 : i32
      %rem3A = arith.remsi %while3A_73, %jit3A : i32
      %ne3A_87 = arith.constant 0 : i32
      %ne3A_88 = arith.cmpi ne, %rem3A, %ne3A_87 : i32
      %and3A = arith.andi %ne3A, %ne3A_88 : i1
      %sub3A = arith.constant 1 : i32
      %sub3A_89 = arith.subi %div3A, %sub3A : i32
      %select_n3A = arith.select %and3A, %sub3A_89, %div3A : i32
      %jit3A_90 = arith.constant 8 : i32
      %eq3A = arith.constant 0 : i32
      %eq3A_91 = arith.cmpi eq, %jit3A_90, %eq3A : i32
      %jit3A_92 = arith.constant 1 : i32
      %select_n3A_93 = arith.select %eq3A_91, %jit3A_92, %jit3A_90 : i32
      %rem3A_94 = arith.remsi %while3A_73, %select_n3A_93 : i32
      %ne3A_95 = arith.constant 0 : i32
      %ne3A_96 = arith.cmpi ne, %rem3A_94, %ne3A_95 : i32
      %lt3A = arith.constant 0 : i32
      %lt3A_97 = arith.cmpi slt, %rem3A_94, %lt3A : i32
      %lt3A_98 = arith.constant 0 : i32
      %lt3A_99 = arith.cmpi slt, %select_n3A_93, %lt3A_98 : i32
      %ne3A_100 = arith.xori %lt3A_97, %lt3A_99 : i1
      %and3A_101 = arith.andi %ne3A_100, %ne3A_96 : i1
      %add3A_102 = arith.addi %rem3A_94, %select_n3A_93 : i32
      %select_n3A_103 = arith.select %and3A_101, %add3A_102, %rem3A_94 : i32
      %mul3A_104 = arith.constant 16 : i32
      %mul3A_105 = arith.muli %select_n3A_103, %mul3A_104 : i32
      %broadcast_in_dim3A = arith.constant 0.000000e+00 : f32
      %broadcast_in_dim3A_106 = vector.broadcast %broadcast_in_dim3A : f32 to vector<16xf32>
      %swap3A = arith.index_cast %select_n3A : i32 to index
      %swap3A_107 = arith.index_cast %mul3A_105 : i32 to index
      %swap3A_108 = tpu.vector_load %arg9[%swap3A, %swap3A_107] {strides = array<i32>} : memref<80x128xf32, #tpu.memory_space<vmem>>, vector<1x16xf32>,
      %swap3A_109 = vector.shape_cast %swap3A_108 : vector<1x16xf32> to vector<16xf32>
      %swap3A_110 = vector.shape_cast %broadcast_in_dim3A_106 : vector<16xf32> to vector<1x16xf32>
      tpu.vector_store %arg9[%swap3A, %swap3A_107], %swap3A_110 {strides = array<i32>} : memref<80x128xf32, #tpu.memory_space<vmem>>, vector<1x16xf32>,
    }
    %while3A_15 = arith.constant 0 : i32
    %while3A_16 = arith.constant 0 : i32
    %while3A_17 = arith.constant 7 : i32
    %while3A_18 = arith.subi %while3A_17, %while3A_16 : i32
    %while3A_19 = arith.addi %while3A_16, %while3A_18 : i32
    %while3A_20 = arith.constant 1 : i32
    %while3A_21 = arith.divsi %while3A_18, %while3A_20 : i32
    %while3A_22 = arith.muli %while3A_21, %while3A_20 : i32
    %while3A_23 = arith.addi %while3A_16, %while3A_22 : i32
    %while3A_24 = arith.constant 1 : i32
    scf.for %while3A_73 = %while3A_16 to %while3A_23 step %while3A_24  : i32 {
      %mul3A_74 = arith.constant 80 : i32
      %mul3A_75 = arith.muli %while3A_73, %mul3A_74 : i32
      %add3A_76 = arith.addi %mul3A_4, %mul3A_75 : i32
      %dma_start3A_77 = arith.constant 0 : i32
      %dma_start3A_78 = tpu.memref_slice %arg11[%add3A_76, %dma_start3A_77] : memref<10112x128xf32, #tpu.memory_space<vmem_shared>> -> memref<80x128xf32, #tpu.memory_space<vmem_shared>>
      %dma_start3A_79 = arith.constant 0 : i32
      %dma_start3A_80 = tpu.memref_slice %arg11[%add3A_76, %dma_start3A_79] : memref<10112x128xf32, #tpu.memory_space<vmem_shared>> -> memref<80x128xf32, #tpu.memory_space<vmem_shared>>
      tpu.enqueue_dma source(%arg9 : memref<80x128xf32, #tpu.memory_space<vmem>>) target(%dma_start3A_80 : memref<80x128xf32, #tpu.memory_space<vmem_shared>>) target_semaphore(%arg14 : memref<!tpu.dma_semaphore, #tpu.memory_space<semaphore_mem>>)
    }
    %while3A_25 = arith.constant 1 : i32
    scf.for %while3A_73 = %while3A_23 to %while3A_19 step %while3A_25  : i32 {
      %mul3A_74 = arith.constant 80 : i32
      %mul3A_75 = arith.muli %while3A_73, %mul3A_74 : i32
      %add3A_76 = arith.addi %mul3A_4, %mul3A_75 : i32
      %dma_start3A_77 = arith.constant 0 : i32
      %dma_start3A_78 = tpu.memref_slice %arg11[%add3A_76, %dma_start3A_77] : memref<10112x128xf32, #tpu.memory_space<vmem_shared>> -> memref<80x128xf32, #tpu.memory_space<vmem_shared>>
      %dma_start3A_79 = arith.constant 0 : i32
      %dma_start3A_80 = tpu.memref_slice %arg11[%add3A_76, %dma_start3A_79] : memref<10112x128xf32, #tpu.memory_space<vmem_shared>> -> memref<80x128xf32, #tpu.memory_space<vmem_shared>>
      tpu.enqueue_dma source(%arg9 : memref<80x128xf32, #tpu.memory_space<vmem>>) target(%dma_start3A_80 : memref<80x128xf32, #tpu.memory_space<vmem_shared>>) target_semaphore(%arg14 : memref<!tpu.dma_semaphore, #tpu.memory_space<semaphore_mem>>)
    }
    "tpu.region"() ({
      %run_scoped3A_73 = tpu.sem_alloc : memref<!tpu.dma_semaphore, #tpu.memory_space<semaphore_mem>>
      %dma_start3A_74 = tpu.memref_slice %arg2[%mul3A_2] : memref<320000xi32, #tpu.memory_space<hbm>> -> memref<10000xi32, #tpu.memory_space<hbm>>
      %dma_start3A_75 = tpu.memref_slice %arg2[%mul3A_2] : memref<320000xi32, #tpu.memory_space<hbm>> -> memref<10000xi32, #tpu.memory_space<hbm>>
      tpu.enqueue_dma source(%dma_start3A_75 : memref<10000xi32, #tpu.memory_space<hbm>>) target(%arg6 : memref<10000xi32, #tpu.memory_space<vmem>>) target_semaphore(%run_scoped3A_73 : memref<!tpu.dma_semaphore, #tpu.memory_space<semaphore_mem>>)
      %dma_wait3A_76 = tpu.memref_slice %arg2[%mul3A_2] : memref<320000xi32, #tpu.memory_space<hbm>> -> memref<10000xi32, #tpu.memory_space<hbm>>
      %dma_wait3A_77 = tpu.memref_slice %arg2[%mul3A_2] : memref<320000xi32, #tpu.memory_space<hbm>> -> memref<10000xi32, #tpu.memory_space<hbm>>
      tpu.wait_dma2 semaphore(%run_scoped3A_73 : memref<!tpu.dma_semaphore, #tpu.memory_space<semaphore_mem>>) src(%dma_wait3A_77 : memref<10000xi32, #tpu.memory_space<hbm>>) dst(%arg6 : memref<10000xi32, #tpu.memory_space<vmem>>)
      tpu.yield
    }) : () -> ()
    %while3A_26 = arith.constant 0 : i32
    %while3A_27 = arith.constant 0 : i32
    %while3A_28 = arith.constant 5 : i32
    %while3A_29 = arith.subi %while3A_28, %while3A_27 : i32
    %while3A_30 = arith.addi %while3A_27, %while3A_29 : i32
    %while3A_31 = arith.constant 1 : i32
    %while3A_32 = arith.divsi %while3A_29, %while3A_31 : i32
    %while3A_33 = arith.muli %while3A_32, %while3A_31 : i32
    %while3A_34 = arith.addi %while3A_27, %while3A_33 : i32
    %while3A_35 = arith.constant 1 : i32
    scf.for %while3A_73 = %while3A_27 to %while3A_34 step %while3A_35  : i32 {
      %mul3A_74 = arith.constant 2000 : i32
      %mul3A_75 = arith.muli %while3A_73, %mul3A_74 : i32
      %add3A_76 = arith.addi %mul3A_2, %mul3A_75 : i32
      "tpu.region"() ({
        %run_scoped3A_88 = tpu.sem_alloc : memref<!tpu.dma_semaphore, #tpu.memory_space<semaphore_mem>>
        %dma_start3A_89 = tpu.memref_slice %arg3[%add3A_76] : memref<320000xi32, #tpu.memory_space<hbm>> -> memref<2000xi32, #tpu.memory_space<hbm>>
        %dma_start3A_90 = tpu.memref_slice %arg3[%add3A_76] : memref<320000xi32, #tpu.memory_space<hbm>> -> memref<2000xi32, #tpu.memory_space<hbm>>
        tpu.enqueue_dma source(%dma_start3A_90 : memref<2000xi32, #tpu.memory_space<hbm>>) target(%arg7 : memref<2000xi32, #tpu.memory_space<vmem>>) target_semaphore(%run_scoped3A_88 : memref<!tpu.dma_semaphore, #tpu.memory_space<semaphore_mem>>)
        %dma_wait3A_91 = tpu.memref_slice %arg3[%add3A_76] : memref<320000xi32, #tpu.memory_space<hbm>> -> memref<2000xi32, #tpu.memory_space<hbm>>
        %dma_wait3A_92 = tpu.memref_slice %arg3[%add3A_76] : memref<320000xi32, #tpu.memory_space<hbm>> -> memref<2000xi32, #tpu.memory_space<hbm>>
        tpu.wait_dma2 semaphore(%run_scoped3A_88 : memref<!tpu.dma_semaphore, #tpu.memory_space<semaphore_mem>>) src(%dma_wait3A_92 : memref<2000xi32, #tpu.memory_space<hbm>>) dst(%arg7 : memref<2000xi32, #tpu.memory_space<vmem>>)
        tpu.yield
      }) : () -> ()
      %while3A_77 = arith.constant 0 : i32
      %while3A_78 = arith.constant 0 : i32
      %while3A_79 = arith.constant 125 : i32
      %while3A_80 = arith.subi %while3A_79, %while3A_78 : i32
      %while3A_81 = arith.addi %while3A_78, %while3A_80 : i32
      %while3A_82 = arith.constant 1 : i32
      %while3A_83 = arith.divsi %while3A_80, %while3A_82 : i32
      %while3A_84 = arith.muli %while3A_83, %while3A_82 : i32
      %while3A_85 = arith.addi %while3A_78, %while3A_84 : i32
      %while3A_86 = arith.constant 1 : i32
      scf.for %while3A_88 = %while3A_78 to %while3A_85 step %while3A_86  : i32 {
        %mul3A_89 = arith.constant 16 : i32
        %mul3A_90 = arith.muli %while3A_88, %mul3A_89 : i32
        %add3A_91 = arith.addi %mul3A_75, %mul3A_90 : i32
        %jit3A = arith.constant 80 : i32
        %div3A = arith.divsi %add3A_91, %jit3A : i32
        %sign3A = arith.constant 0 : i32
        %sign3A_92 = arith.cmpi sgt, %add3A_91, %sign3A : i32
        %sign3A_93 = arith.extui %sign3A_92 : i1 to i32
        %sign3A_94 = arith.constant 0 : i32
        %sign3A_95 = arith.cmpi slt, %add3A_91, %sign3A_94 : i32
        %sign3A_96 = arith.extui %sign3A_95 : i1 to i32
        %sign3A_97 = arith.subi %sign3A_93, %sign3A_96 : i32
        %sign3A_98 = arith.constant 0 : i32
        %sign3A_99 = arith.cmpi sgt, %jit3A, %sign3A_98 : i32
        %sign3A_100 = arith.extui %sign3A_99 : i1 to i32
        %sign3A_101 = arith.constant 0 : i32
        %sign3A_102 = arith.cmpi slt, %jit3A, %sign3A_101 : i32
        %sign3A_103 = arith.extui %sign3A_102 : i1 to i32
        %sign3A_104 = arith.subi %sign3A_100, %sign3A_103 : i32
        %ne3A = arith.cmpi ne, %sign3A_97, %sign3A_104 : i32
        %rem3A = arith.remsi %add3A_91, %jit3A : i32
        %ne3A_105 = arith.constant 0 : i32
        %ne3A_106 = arith.cmpi ne, %rem3A, %ne3A_105 : i32
        %and3A = arith.andi %ne3A, %ne3A_106 : i1
        %sub3A = arith.constant 1 : i32
        %sub3A_107 = arith.subi %div3A, %sub3A : i32
        %select_n3A = arith.select %and3A, %sub3A_107, %div3A : i32
        %jit3A_108 = arith.constant 80 : i32
        %eq3A = arith.constant 0 : i32
        %eq3A_109 = arith.cmpi eq, %jit3A_108, %eq3A : i32
        %jit3A_110 = arith.constant 1 : i32
        %select_n3A_111 = arith.select %eq3A_109, %jit3A_110, %jit3A_108 : i32
        %rem3A_112 = arith.remsi %add3A_91, %select_n3A_111 : i32
        %ne3A_113 = arith.constant 0 : i32
        %ne3A_114 = arith.cmpi ne, %rem3A_112, %ne3A_113 : i32
        %lt3A = arith.constant 0 : i32
        %lt3A_115 = arith.cmpi slt, %rem3A_112, %lt3A : i32
        %lt3A_116 = arith.constant 0 : i32
        %lt3A_117 = arith.cmpi slt, %select_n3A_111, %lt3A_116 : i32
        %ne3A_118 = arith.xori %lt3A_115, %lt3A_117 : i1
        %and3A_119 = arith.andi %ne3A_118, %ne3A_114 : i1
        %add3A_120 = arith.addi %rem3A_112, %select_n3A_111 : i32
        %select_n3A_121 = arith.select %and3A_119, %add3A_120, %rem3A_112 : i32
        %get3A = arith.index_cast %add3A_91 : i32 to index
        %get3A_122 = tpu.vector_load %arg6[%get3A] {strides = array<i32>} : memref<10000xi32, #tpu.memory_space<vmem>>, vector<16xi32>,
        %mul3A_123 = arith.constant 16 : i32
        %mul3A_124 = arith.muli %while3A_88, %mul3A_123 : i32
        %get3A_125 = arith.index_cast %mul3A_124 : i32 to index
        %get3A_126 = tpu.vector_load %arg7[%get3A_125] {strides = array<i32>} : memref<2000xi32, #tpu.memory_space<vmem>>, vector<16xi32>,
        %get3A_127 = vector.shape_cast %get3A_126 : vector<16xi32> to vector<16xi32>
        %eq3A_128 = arith.cmpi eq, %get3A_122, %get3A_127 : vector<16xi32>
        %jit3A_129 = arith.constant 10000 : i32
        %broadcast_in_dim3A = vector.broadcast %jit3A_129 : i32 to vector<16xi32>
        %select_n3A_130 = arith.select %eq3A_128, %broadcast_in_dim3A, %get3A_127 : vector<16xi1>, vector<16xi32>
        %swap3A = arith.index_cast %select_n3A : i32 to index
        %swap3A_131 = arith.index_cast %select_n3A_121 : i32 to index
        %swap3A_132 = tpu.vector_load %arg8[%swap3A, %swap3A_131] {strides = array<i32>} : memref<125x80xi32, #tpu.memory_space<vmem>>, vector<1x16xi32>,
        %swap3A_133 = vector.shape_cast %swap3A_132 : vector<1x16xi32> to vector<16xi32>
        %swap3A_134 = vector.shape_cast %select_n3A_130 : vector<16xi32> to vector<1x16xi32>
        tpu.vector_store %arg8[%swap3A, %swap3A_131], %swap3A_134 {strides = array<i32>} : memref<125x80xi32, #tpu.memory_space<vmem>>, vector<1x16xi32>,
      }
      %while3A_87 = arith.constant 1 : i32
      scf.for %while3A_88 = %while3A_85 to %while3A_81 step %while3A_87  : i32 {
        %mul3A_89 = arith.constant 16 : i32
        %mul3A_90 = arith.muli %while3A_88, %mul3A_89 : i32
        %add3A_91 = arith.addi %mul3A_75, %mul3A_90 : i32
        %jit3A = arith.constant 80 : i32
        %div3A = arith.divsi %add3A_91, %jit3A : i32
        %sign3A = arith.constant 0 : i32
        %sign3A_92 = arith.cmpi sgt, %add3A_91, %sign3A : i32
        %sign3A_93 = arith.extui %sign3A_92 : i1 to i32
        %sign3A_94 = arith.constant 0 : i32
        %sign3A_95 = arith.cmpi slt, %add3A_91, %sign3A_94 : i32
        %sign3A_96 = arith.extui %sign3A_95 : i1 to i32
        %sign3A_97 = arith.subi %sign3A_93, %sign3A_96 : i32
        %sign3A_98 = arith.constant 0 : i32
        %sign3A_99 = arith.cmpi sgt, %jit3A, %sign3A_98 : i32
        %sign3A_100 = arith.extui %sign3A_99 : i1 to i32
        %sign3A_101 = arith.constant 0 : i32
        %sign3A_102 = arith.cmpi slt, %jit3A, %sign3A_101 : i32
        %sign3A_103 = arith.extui %sign3A_102 : i1 to i32
        %sign3A_104 = arith.subi %sign3A_100, %sign3A_103 : i32
        %ne3A = arith.cmpi ne, %sign3A_97, %sign3A_104 : i32
        %rem3A = arith.remsi %add3A_91, %jit3A : i32
        %ne3A_105 = arith.constant 0 : i32
        %ne3A_106 = arith.cmpi ne, %rem3A, %ne3A_105 : i32
        %and3A = arith.andi %ne3A, %ne3A_106 : i1
        %sub3A = arith.constant 1 : i32
        %sub3A_107 = arith.subi %div3A, %sub3A : i32
        %select_n3A = arith.select %and3A, %sub3A_107, %div3A : i32
        %jit3A_108 = arith.constant 80 : i32
        %eq3A = arith.constant 0 : i32
        %eq3A_109 = arith.cmpi eq, %jit3A_108, %eq3A : i32
        %jit3A_110 = arith.constant 1 : i32
        %select_n3A_111 = arith.select %eq3A_109, %jit3A_110, %jit3A_108 : i32
        %rem3A_112 = arith.remsi %add3A_91, %select_n3A_111 : i32
        %ne3A_113 = arith.constant 0 : i32
        %ne3A_114 = arith.cmpi ne, %rem3A_112, %ne3A_113 : i32
        %lt3A = arith.constant 0 : i32
        %lt3A_115 = arith.cmpi slt, %rem3A_112, %lt3A : i32
        %lt3A_116 = arith.constant 0 : i32
        %lt3A_117 = arith.cmpi slt, %select_n3A_111, %lt3A_116 : i32
        %ne3A_118 = arith.xori %lt3A_115, %lt3A_117 : i1
        %and3A_119 = arith.andi %ne3A_118, %ne3A_114 : i1
        %add3A_120 = arith.addi %rem3A_112, %select_n3A_111 : i32
        %select_n3A_121 = arith.select %and3A_119, %add3A_120, %rem3A_112 : i32
        %get3A = arith.index_cast %add3A_91 : i32 to index
        %get3A_122 = tpu.vector_load %arg6[%get3A] {strides = array<i32>} : memref<10000xi32, #tpu.memory_space<vmem>>, vector<16xi32>,
        %mul3A_123 = arith.constant 16 : i32
        %mul3A_124 = arith.muli %while3A_88, %mul3A_123 : i32
        %get3A_125 = arith.index_cast %mul3A_124 : i32 to index
        %get3A_126 = tpu.vector_load %arg7[%get3A_125] {strides = array<i32>} : memref<2000xi32, #tpu.memory_space<vmem>>, vector<16xi32>,
        %get3A_127 = vector.shape_cast %get3A_126 : vector<16xi32> to vector<16xi32>
        %eq3A_128 = arith.cmpi eq, %get3A_122, %get3A_127 : vector<16xi32>
        %jit3A_129 = arith.constant 10000 : i32
        %broadcast_in_dim3A = vector.broadcast %jit3A_129 : i32 to vector<16xi32>
        %select_n3A_130 = arith.select %eq3A_128, %broadcast_in_dim3A, %get3A_127 : vector<16xi1>, vector<16xi32>
        %swap3A = arith.index_cast %select_n3A : i32 to index
        %swap3A_131 = arith.index_cast %select_n3A_121 : i32 to index
        %swap3A_132 = tpu.vector_load %arg8[%swap3A, %swap3A_131] {strides = array<i32>} : memref<125x80xi32, #tpu.memory_space<vmem>>, vector<1x16xi32>,
        %swap3A_133 = vector.shape_cast %swap3A_132 : vector<1x16xi32> to vector<16xi32>
        %swap3A_134 = vector.shape_cast %select_n3A_130 : vector<16xi32> to vector<1x16xi32>
        tpu.vector_store %arg8[%swap3A, %swap3A_131], %swap3A_134 {strides = array<i32>} : memref<125x80xi32, #tpu.memory_space<vmem>>, vector<1x16xi32>,
      }
    }
    %while3A_36 = arith.constant 1 : i32
    scf.for %while3A_73 = %while3A_34 to %while3A_30 step %while3A_36  : i32 {
      %mul3A_74 = arith.constant 2000 : i32
      %mul3A_75 = arith.muli %while3A_73, %mul3A_74 : i32
      %add3A_76 = arith.addi %mul3A_2, %mul3A_75 : i32
      "tpu.region"() ({
        %run_scoped3A_88 = tpu.sem_alloc : memref<!tpu.dma_semaphore, #tpu.memory_space<semaphore_mem>>
        %dma_start3A_89 = tpu.memref_slice %arg3[%add3A_76] : memref<320000xi32, #tpu.memory_space<hbm>> -> memref<2000xi32, #tpu.memory_space<hbm>>
        %dma_start3A_90 = tpu.memref_slice %arg3[%add3A_76] : memref<320000xi32, #tpu.memory_space<hbm>> -> memref<2000xi32, #tpu.memory_space<hbm>>
        tpu.enqueue_dma source(%dma_start3A_90 : memref<2000xi32, #tpu.memory_space<hbm>>) target(%arg7 : memref<2000xi32, #tpu.memory_space<vmem>>) target_semaphore(%run_scoped3A_88 : memref<!tpu.dma_semaphore, #tpu.memory_space<semaphore_mem>>)
        %dma_wait3A_91 = tpu.memref_slice %arg3[%add3A_76] : memref<320000xi32, #tpu.memory_space<hbm>> -> memref<2000xi32, #tpu.memory_space<hbm>>
        %dma_wait3A_92 = tpu.memref_slice %arg3[%add3A_76] : memref<320000xi32, #tpu.memory_space<hbm>> -> memref<2000xi32, #tpu.memory_space<hbm>>
        tpu.wait_dma2 semaphore(%run_scoped3A_88 : memref<!tpu.dma_semaphore, #tpu.memory_space<semaphore_mem>>) src(%dma_wait3A_92 : memref<2000xi32, #tpu.memory_space<hbm>>) dst(%arg7 : memref<2000xi32, #tpu.memory_space<vmem>>)
        tpu.yield
      }) : () -> ()
      %while3A_77 = arith.constant 0 : i32
      %while3A_78 = arith.constant 0 : i32
      %while3A_79 = arith.constant 125 : i32
      %while3A_80 = arith.subi %while3A_79, %while3A_78 : i32
      %while3A_81 = arith.addi %while3A_78, %while3A_80 : i32
      %while3A_82 = arith.constant 1 : i32
      %while3A_83 = arith.divsi %while3A_80, %while3A_82 : i32
      %while3A_84 = arith.muli %while3A_83, %while3A_82 : i32
      %while3A_85 = arith.addi %while3A_78, %while3A_84 : i32
      %while3A_86 = arith.constant 1 : i32
      scf.for %while3A_88 = %while3A_78 to %while3A_85 step %while3A_86  : i32 {
        %mul3A_89 = arith.constant 16 : i32
        %mul3A_90 = arith.muli %while3A_88, %mul3A_89 : i32
        %add3A_91 = arith.addi %mul3A_75, %mul3A_90 : i32
        %jit3A = arith.constant 80 : i32
        %div3A = arith.divsi %add3A_91, %jit3A : i32
        %sign3A = arith.constant 0 : i32
        %sign3A_92 = arith.cmpi sgt, %add3A_91, %sign3A : i32
        %sign3A_93 = arith.extui %sign3A_92 : i1 to i32
        %sign3A_94 = arith.constant 0 : i32
        %sign3A_95 = arith.cmpi slt, %add3A_91, %sign3A_94 : i32
        %sign3A_96 = arith.extui %sign3A_95 : i1 to i32
        %sign3A_97 = arith.subi %sign3A_93, %sign3A_96 : i32
        %sign3A_98 = arith.constant 0 : i32
        %sign3A_99 = arith.cmpi sgt, %jit3A, %sign3A_98 : i32
        %sign3A_100 = arith.extui %sign3A_99 : i1 to i32
        %sign3A_101 = arith.constant 0 : i32
        %sign3A_102 = arith.cmpi slt, %jit3A, %sign3A_101 : i32
        %sign3A_103 = arith.extui %sign3A_102 : i1 to i32
        %sign3A_104 = arith.subi %sign3A_100, %sign3A_103 : i32
        %ne3A = arith.cmpi ne, %sign3A_97, %sign3A_104 : i32
        %rem3A = arith.remsi %add3A_91, %jit3A : i32
        %ne3A_105 = arith.constant 0 : i32
        %ne3A_106 = arith.cmpi ne, %rem3A, %ne3A_105 : i32
        %and3A = arith.andi %ne3A, %ne3A_106 : i1
        %sub3A = arith.constant 1 : i32
        %sub3A_107 = arith.subi %div3A, %sub3A : i32
        %select_n3A = arith.select %and3A, %sub3A_107, %div3A : i32
        %jit3A_108 = arith.constant 80 : i32
        %eq3A = arith.constant 0 : i32
        %eq3A_109 = arith.cmpi eq, %jit3A_108, %eq3A : i32
        %jit3A_110 = arith.constant 1 : i32
        %select_n3A_111 = arith.select %eq3A_109, %jit3A_110, %jit3A_108 : i32
        %rem3A_112 = arith.remsi %add3A_91, %select_n3A_111 : i32
        %ne3A_113 = arith.constant 0 : i32
        %ne3A_114 = arith.cmpi ne, %rem3A_112, %ne3A_113 : i32
        %lt3A = arith.constant 0 : i32
        %lt3A_115 = arith.cmpi slt, %rem3A_112, %lt3A : i32
        %lt3A_116 = arith.constant 0 : i32
        %lt3A_117 = arith.cmpi slt, %select_n3A_111, %lt3A_116 : i32
        %ne3A_118 = arith.xori %lt3A_115, %lt3A_117 : i1
        %and3A_119 = arith.andi %ne3A_118, %ne3A_114 : i1
        %add3A_120 = arith.addi %rem3A_112, %select_n3A_111 : i32
        %select_n3A_121 = arith.select %and3A_119, %add3A_120, %rem3A_112 : i32
        %get3A = arith.index_cast %add3A_91 : i32 to index
        %get3A_122 = tpu.vector_load %arg6[%get3A] {strides = array<i32>} : memref<10000xi32, #tpu.memory_space<vmem>>, vector<16xi32>,
        %mul3A_123 = arith.constant 16 : i32
        %mul3A_124 = arith.muli %while3A_88, %mul3A_123 : i32
        %get3A_125 = arith.index_cast %mul3A_124 : i32 to index
        %get3A_126 = tpu.vector_load %arg7[%get3A_125] {strides = array<i32>} : memref<2000xi32, #tpu.memory_space<vmem>>, vector<16xi32>,
        %get3A_127 = vector.shape_cast %get3A_126 : vector<16xi32> to vector<16xi32>
        %eq3A_128 = arith.cmpi eq, %get3A_122, %get3A_127 : vector<16xi32>
        %jit3A_129 = arith.constant 10000 : i32
        %broadcast_in_dim3A = vector.broadcast %jit3A_129 : i32 to vector<16xi32>
        %select_n3A_130 = arith.select %eq3A_128, %broadcast_in_dim3A, %get3A_127 : vector<16xi1>, vector<16xi32>
        %swap3A = arith.index_cast %select_n3A : i32 to index
        %swap3A_131 = arith.index_cast %select_n3A_121 : i32 to index
        %swap3A_132 = tpu.vector_load %arg8[%swap3A, %swap3A_131] {strides = array<i32>} : memref<125x80xi32, #tpu.memory_space<vmem>>, vector<1x16xi32>,
        %swap3A_133 = vector.shape_cast %swap3A_132 : vector<1x16xi32> to vector<16xi32>
        %swap3A_134 = vector.shape_cast %select_n3A_130 : vector<16xi32> to vector<1x16xi32>
        tpu.vector_store %arg8[%swap3A, %swap3A_131], %swap3A_134 {strides = array<i32>} : memref<125x80xi32, #tpu.memory_space<vmem>>, vector<1x16xi32>,
      }
      %while3A_87 = arith.constant 1 : i32
      scf.for %while3A_88 = %while3A_85 to %while3A_81 step %while3A_87  : i32 {
        %mul3A_89 = arith.constant 16 : i32
        %mul3A_90 = arith.muli %while3A_88, %mul3A_89 : i32
        %add3A_91 = arith.addi %mul3A_75, %mul3A_90 : i32
        %jit3A = arith.constant 80 : i32
        %div3A = arith.divsi %add3A_91, %jit3A : i32
        %sign3A = arith.constant 0 : i32
        %sign3A_92 = arith.cmpi sgt, %add3A_91, %sign3A : i32
        %sign3A_93 = arith.extui %sign3A_92 : i1 to i32
        %sign3A_94 = arith.constant 0 : i32
        %sign3A_95 = arith.cmpi slt, %add3A_91, %sign3A_94 : i32
        %sign3A_96 = arith.extui %sign3A_95 : i1 to i32
        %sign3A_97 = arith.subi %sign3A_93, %sign3A_96 : i32
        %sign3A_98 = arith.constant 0 : i32
        %sign3A_99 = arith.cmpi sgt, %jit3A, %sign3A_98 : i32
        %sign3A_100 = arith.extui %sign3A_99 : i1 to i32
        %sign3A_101 = arith.constant 0 : i32
        %sign3A_102 = arith.cmpi slt, %jit3A, %sign3A_101 : i32
        %sign3A_103 = arith.extui %sign3A_102 : i1 to i32
        %sign3A_104 = arith.subi %sign3A_100, %sign3A_103 : i32
        %ne3A = arith.cmpi ne, %sign3A_97, %sign3A_104 : i32
        %rem3A = arith.remsi %add3A_91, %jit3A : i32
        %ne3A_105 = arith.constant 0 : i32
        %ne3A_106 = arith.cmpi ne, %rem3A, %ne3A_105 : i32
        %and3A = arith.andi %ne3A, %ne3A_106 : i1
        %sub3A = arith.constant 1 : i32
        %sub3A_107 = arith.subi %div3A, %sub3A : i32
        %select_n3A = arith.select %and3A, %sub3A_107, %div3A : i32
        %jit3A_108 = arith.constant 80 : i32
        %eq3A = arith.constant 0 : i32
        %eq3A_109 = arith.cmpi eq, %jit3A_108, %eq3A : i32
        %jit3A_110 = arith.constant 1 : i32
        %select_n3A_111 = arith.select %eq3A_109, %jit3A_110, %jit3A_108 : i32
        %rem3A_112 = arith.remsi %add3A_91, %select_n3A_111 : i32
        %ne3A_113 = arith.constant 0 : i32
        %ne3A_114 = arith.cmpi ne, %rem3A_112, %ne3A_113 : i32
        %lt3A = arith.constant 0 : i32
        %lt3A_115 = arith.cmpi slt, %rem3A_112, %lt3A : i32
        %lt3A_116 = arith.constant 0 : i32
        %lt3A_117 = arith.cmpi slt, %select_n3A_111, %lt3A_116 : i32
        %ne3A_118 = arith.xori %lt3A_115, %lt3A_117 : i1
        %and3A_119 = arith.andi %ne3A_118, %ne3A_114 : i1
        %add3A_120 = arith.addi %rem3A_112, %select_n3A_111 : i32
        %select_n3A_121 = arith.select %and3A_119, %add3A_120, %rem3A_112 : i32
        %get3A = arith.index_cast %add3A_91 : i32 to index
        %get3A_122 = tpu.vector_load %arg6[%get3A] {strides = array<i32>} : memref<10000xi32, #tpu.memory_space<vmem>>, vector<16xi32>,
        %mul3A_123 = arith.constant 16 : i32
        %mul3A_124 = arith.muli %while3A_88, %mul3A_123 : i32
        %get3A_125 = arith.index_cast %mul3A_124 : i32 to index
        %get3A_126 = tpu.vector_load %arg7[%get3A_125] {strides = array<i32>} : memref<2000xi32, #tpu.memory_space<vmem>>, vector<16xi32>,
        %get3A_127 = vector.shape_cast %get3A_126 : vector<16xi32> to vector<16xi32>
        %eq3A_128 = arith.cmpi eq, %get3A_122, %get3A_127 : vector<16xi32>
        %jit3A_129 = arith.constant 10000 : i32
        %broadcast_in_dim3A = vector.broadcast %jit3A_129 : i32 to vector<16xi32>
        %select_n3A_130 = arith.select %eq3A_128, %broadcast_in_dim3A, %get3A_127 : vector<16xi1>, vector<16xi32>
        %swap3A = arith.index_cast %select_n3A : i32 to index
        %swap3A_131 = arith.index_cast %select_n3A_121 : i32 to index
        %swap3A_132 = tpu.vector_load %arg8[%swap3A, %swap3A_131] {strides = array<i32>} : memref<125x80xi32, #tpu.memory_space<vmem>>, vector<1x16xi32>,
        %swap3A_133 = vector.shape_cast %swap3A_132 : vector<1x16xi32> to vector<16xi32>
        %swap3A_134 = vector.shape_cast %select_n3A_130 : vector<16xi32> to vector<1x16xi32>
        tpu.vector_store %arg8[%swap3A, %swap3A_131], %swap3A_134 {strides = array<i32>} : memref<125x80xi32, #tpu.memory_space<vmem>>, vector<1x16xi32>,
      }
    }
    %while3A_37 = arith.constant 0 : i32
    %while3A_38 = arith.constant 0 : i32
    %while3A_39 = arith.constant 7 : i32
    %while3A_40 = arith.subi %while3A_39, %while3A_38 : i32
    %while3A_41 = arith.addi %while3A_38, %while3A_40 : i32
    %while3A_42 = arith.constant 1 : i32
    %while3A_43 = arith.divsi %while3A_40, %while3A_42 : i32
    %while3A_44 = arith.muli %while3A_43, %while3A_42 : i32
    %while3A_45 = arith.addi %while3A_38, %while3A_44 : i32
    %while3A_46 = arith.constant 1 : i32
    scf.for %while3A_73 = %while3A_38 to %while3A_45 step %while3A_46  : i32 {
      %dma_wait3A_74 = arith.constant 0 : i32
      %dma_wait3A_75 = tpu.memref_slice %arg11[%mul3A_4, %dma_wait3A_74] : memref<10112x128xf32, #tpu.memory_space<vmem_shared>> -> memref<80x128xf32, #tpu.memory_space<vmem_shared>>
      %dma_wait3A_76 = arith.constant 0 : i32
      %dma_wait3A_77 = tpu.memref_slice %arg11[%mul3A_4, %dma_wait3A_76] : memref<10112x128xf32, #tpu.memory_space<vmem_shared>> -> memref<80x128xf32, #tpu.memory_space<vmem_shared>>
      tpu.wait_dma2 semaphore(%arg14 : memref<!tpu.dma_semaphore, #tpu.memory_space<semaphore_mem>>) src(%arg9 : memref<80x128xf32, #tpu.memory_space<vmem>>) dst(%dma_wait3A_77 : memref<80x128xf32, #tpu.memory_space<vmem_shared>>)
    }
    %while3A_47 = arith.constant 1 : i32
    scf.for %while3A_73 = %while3A_45 to %while3A_41 step %while3A_47  : i32 {
      %dma_wait3A_74 = arith.constant 0 : i32
      %dma_wait3A_75 = tpu.memref_slice %arg11[%mul3A_4, %dma_wait3A_74] : memref<10112x128xf32, #tpu.memory_space<vmem_shared>> -> memref<80x128xf32, #tpu.memory_space<vmem_shared>>
      %dma_wait3A_76 = arith.constant 0 : i32
      %dma_wait3A_77 = tpu.memref_slice %arg11[%mul3A_4, %dma_wait3A_76] : memref<10112x128xf32, #tpu.memory_space<vmem_shared>> -> memref<80x128xf32, #tpu.memory_space<vmem_shared>>
      tpu.wait_dma2 semaphore(%arg14 : memref<!tpu.dma_semaphore, #tpu.memory_space<semaphore_mem>>) src(%arg9 : memref<80x128xf32, #tpu.memory_space<vmem>>) dst(%dma_wait3A_77 : memref<80x128xf32, #tpu.memory_space<vmem_shared>>)
    }
    %add3A_48 = arith.constant 560 : i32
    %add3A_49 = arith.addi %mul3A_4, %add3A_48 : i32
    %run_scoped3A = arith.constant 0 : i32
    "tpu.region"() ({
      %run_scoped3A_73 = tpu.sem_alloc : memref<!tpu.dma_semaphore, #tpu.memory_space<semaphore_mem>>
      %dma_start3A_74 = arith.constant 0 : i32
      %dma_start3A_75 = tpu.memref_slice %arg9[%run_scoped3A, %dma_start3A_74] : memref<80x128xf32, #tpu.memory_space<vmem>> -> memref<72x128xf32, #tpu.memory_space<vmem>>
      %dma_start3A_76 = arith.constant 0 : i32
      %dma_start3A_77 = tpu.memref_slice %arg11[%add3A_49, %dma_start3A_76] : memref<10112x128xf32, #tpu.memory_space<vmem_shared>> -> memref<72x128xf32, #tpu.memory_space<vmem_shared>>
      %dma_start3A_78 = arith.constant 0 : i32
      %dma_start3A_79 = tpu.memref_slice %arg11[%add3A_49, %dma_start3A_78] : memref<10112x128xf32, #tpu.memory_space<vmem_shared>> -> memref<72x128xf32, #tpu.memory_space<vmem_shared>>
      %dma_start3A_80 = arith.constant 0 : i32
      %dma_start3A_81 = tpu.memref_slice %arg9[%run_scoped3A, %dma_start3A_80] : memref<80x128xf32, #tpu.memory_space<vmem>> -> memref<72x128xf32, #tpu.memory_space<vmem>>
      tpu.enqueue_dma source(%dma_start3A_81 : memref<72x128xf32, #tpu.memory_space<vmem>>) target(%dma_start3A_79 : memref<72x128xf32, #tpu.memory_space<vmem_shared>>) target_semaphore(%run_scoped3A_73 : memref<!tpu.dma_semaphore, #tpu.memory_space<semaphore_mem>>)
      %dma_wait3A_82 = arith.constant 0 : i32
      %dma_wait3A_83 = tpu.memref_slice %arg9[%run_scoped3A, %dma_wait3A_82] : memref<80x128xf32, #tpu.memory_space<vmem>> -> memref<72x128xf32, #tpu.memory_space<vmem>>
      %dma_wait3A_84 = arith.constant 0 : i32
      %dma_wait3A_85 = tpu.memref_slice %arg11[%add3A_49, %dma_wait3A_84] : memref<10112x128xf32, #tpu.memory_space<vmem_shared>> -> memref<72x128xf32, #tpu.memory_space<vmem_shared>>
      %dma_wait3A_86 = arith.constant 0 : i32
      %dma_wait3A_87 = tpu.memref_slice %arg11[%add3A_49, %dma_wait3A_86] : memref<10112x128xf32, #tpu.memory_space<vmem_shared>> -> memref<72x128xf32, #tpu.memory_space<vmem_shared>>
      %dma_wait3A_88 = arith.constant 0 : i32
      %dma_wait3A_89 = tpu.memref_slice %arg9[%run_scoped3A, %dma_wait3A_88] : memref<80x128xf32, #tpu.memory_space<vmem>> -> memref<72x128xf32, #tpu.memory_space<vmem>>
      tpu.wait_dma2 semaphore(%run_scoped3A_73 : memref<!tpu.dma_semaphore, #tpu.memory_space<semaphore_mem>>) src(%dma_wait3A_89 : memref<72x128xf32, #tpu.memory_space<vmem>>) dst(%dma_wait3A_87 : memref<72x128xf32, #tpu.memory_space<vmem_shared>>)
      tpu.yield
    }) : () -> ()
    %barrier3A = arith.constant 0 : index
    tpu.barrier barrier_id(%barrier3A)
    %mul3A_50 = arith.constant 0 : i32
    %mul3A_51 = arith.constant 80 : i32
    %mul3A_52 = arith.muli %mul3A_50, %mul3A_51 : i32
    %dma_start3A = tpu.memref_slice %arg6[%mul3A_52] : memref<10000xi32, #tpu.memory_space<vmem>> -> memref<80xi32, #tpu.memory_space<vmem>>
    %dma_start3A_53 = arith.constant 0 : i32
    %dma_start3A_54 = arith.constant 0 : i32
    %dma_start3A_55 = tpu.memref_slice %arg4[%dma_start3A_53, %dma_start3A_54] : memref<10000x128xf32, #tpu.memory_space<hbm>> -> memref<10000x128xf32, #tpu.memory_space<hbm>>
    tpu.enqueue_indirect_dma source(%dma_start3A_55 : memref<10000x128xf32, #tpu.memory_space<hbm>>) target(%arg9 : memref<80x128xf32, #tpu.memory_space<vmem>>) offsets(%dma_start3A : memref<80xi32, #tpu.memory_space<vmem>>) semaphore(%arg12 : memref<!tpu.dma_semaphore, #tpu.memory_space<semaphore_mem>>)
    %while3A_56 = arith.constant 0 : i32
    %while3A_57 = arith.constant 0 : i32
    %while3A_58 = arith.constant 62 : i32
    %while3A_59 = arith.subi %while3A_58, %while3A_57 : i32
    %while3A_60 = arith.addi %while3A_57, %while3A_59 : i32
    %while3A_61 = arith.constant 1 : i32
    %while3A_62 = arith.divsi %while3A_59, %while3A_61 : i32
    %while3A_63 = arith.muli %while3A_62, %while3A_61 : i32
    %while3A_64 = arith.addi %while3A_57, %while3A_63 : i32
    %while3A_65 = arith.constant 1 : i32
    scf.for %while3A_73 = %while3A_57 to %while3A_64 step %while3A_65  : i32 {
      %mul3A_74 = arith.constant 2 : i32
      %mul3A_75 = arith.muli %while3A_73, %mul3A_74 : i32
      %dma_wait3A_76 = arith.constant 0 : i32
      %dma_wait3A_77 = tpu.memref_slice %arg6[%dma_wait3A_76] : memref<10000xi32, #tpu.memory_space<vmem>> -> memref<80xi32, #tpu.memory_space<vmem>>
      %dma_wait3A_78 = arith.constant 0 : i32
      %dma_wait3A_79 = arith.constant 0 : i32
      %dma_wait3A_80 = tpu.memref_slice %arg4[%dma_wait3A_78, %dma_wait3A_79] : memref<10000x128xf32, #tpu.memory_space<hbm>> -> memref<10000x128xf32, #tpu.memory_space<hbm>>
      tpu.wait_indirect_dma semaphore(%arg12 : memref<!tpu.dma_semaphore, #tpu.memory_space<semaphore_mem>>) src(%dma_wait3A_80 : memref<10000x128xf32, #tpu.memory_space<hbm>>) dst(%arg9 : memref<80x128xf32, #tpu.memory_space<vmem>>)
      %add3A_81 = arith.constant 1 : i32
      %add3A_82 = arith.addi %mul3A_75, %add3A_81 : i32
      %mul3A_83 = arith.constant 80 : i32
      %mul3A_84 = arith.muli %add3A_82, %mul3A_83 : i32
      %dma_start3A_85 = tpu.memref_slice %arg6[%mul3A_84] : memref<10000xi32, #tpu.memory_space<vmem>> -> memref<80xi32, #tpu.memory_space<vmem>>
      %dma_start3A_86 = arith.constant 0 : i32
      %dma_start3A_87 = arith.constant 0 : i32
      %dma_start3A_88 = tpu.memref_slice %arg4[%dma_start3A_86, %dma_start3A_87] : memref<10000x128xf32, #tpu.memory_space<hbm>> -> memref<10000x128xf32, #tpu.memory_space<hbm>>
      tpu.enqueue_indirect_dma source(%dma_start3A_88 : memref<10000x128xf32, #tpu.memory_space<hbm>>) target(%arg10 : memref<80x128xf32, #tpu.memory_space<vmem>>) offsets(%dma_start3A_85 : memref<80xi32, #tpu.memory_space<vmem>>) semaphore(%arg13 : memref<!tpu.dma_semaphore, #tpu.memory_space<semaphore_mem>>)
      "tpu.region"() ({
        %run_scoped3A_100 = tpu.sem_alloc : memref<!tpu.dma_semaphore, #tpu.memory_space<semaphore_mem>>
        %dma_start3A_101 = arith.constant 0 : i32
        %dma_start3A_102 = tpu.memref_slice %arg8[%mul3A_75, %dma_start3A_101] : memref<125x80xi32, #tpu.memory_space<vmem>> -> memref<1x80xi32, #tpu.memory_space<vmem>>
        %dma_start3A_103 = tpu.memref_squeeze %dma_start3A_102 : memref<1x80xi32, #tpu.memory_space<vmem>> -> memref<80xi32, #tpu.memory_space<vmem>>
        %dma_start3A_104 = arith.constant 0 : i32
        %dma_start3A_105 = arith.constant 0 : i32
        %dma_start3A_106 = tpu.memref_slice %arg11[%dma_start3A_104, %dma_start3A_105] : memref<10112x128xf32, #tpu.memory_space<vmem_shared>> -> memref<10112x128xf32, #tpu.memory_space<vmem_shared>>
        tpu.enqueue_indirect_dma source(%arg9 : memref<80x128xf32, #tpu.memory_space<vmem>>) target(%dma_start3A_106 : memref<10112x128xf32, #tpu.memory_space<vmem_shared>>) offsets(%dma_start3A_103 : memref<80xi32, #tpu.memory_space<vmem>>) semaphore(%run_scoped3A_100 : memref<!tpu.dma_semaphore, #tpu.memory_space<semaphore_mem>>) {add = true}
        %dma_wait3A_107 = arith.constant 0 : i32
        %dma_wait3A_108 = tpu.memref_slice %arg8[%mul3A_75, %dma_wait3A_107] : memref<125x80xi32, #tpu.memory_space<vmem>> -> memref<1x80xi32, #tpu.memory_space<vmem>>
        %dma_wait3A_109 = tpu.memref_squeeze %dma_wait3A_108 : memref<1x80xi32, #tpu.memory_space<vmem>> -> memref<80xi32, #tpu.memory_space<vmem>>
        %dma_wait3A_110 = arith.constant 0 : i32
        %dma_wait3A_111 = arith.constant 0 : i32
        %dma_wait3A_112 = tpu.memref_slice %arg11[%dma_wait3A_110, %dma_wait3A_111] : memref<10112x128xf32, #tpu.memory_space<vmem_shared>> -> memref<10112x128xf32, #tpu.memory_space<vmem_shared>>
        tpu.wait_indirect_dma semaphore(%run_scoped3A_100 : memref<!tpu.dma_semaphore, #tpu.memory_space<semaphore_mem>>) src(%arg9 : memref<80x128xf32, #tpu.memory_space<vmem>>) dst(%dma_wait3A_112 : memref<10112x128xf32, #tpu.memory_space<vmem_shared>>)
        tpu.yield
      }) : () -> ()
      %dma_wait3A_89 = arith.constant 0 : i32
      %dma_wait3A_90 = tpu.memref_slice %arg6[%dma_wait3A_89] : memref<10000xi32, #tpu.memory_space<vmem>> -> memref<80xi32, #tpu.memory_space<vmem>>
      %dma_wait3A_91 = arith.constant 0 : i32
      %dma_wait3A_92 = arith.constant 0 : i32
      %dma_wait3A_93 = tpu.memref_slice %arg4[%dma_wait3A_91, %dma_wait3A_92] : memref<10000x128xf32, #tpu.memory_space<hbm>> -> memref<10000x128xf32, #tpu.memory_space<hbm>>
      tpu.wait_indirect_dma semaphore(%arg13 : memref<!tpu.dma_semaphore, #tpu.memory_space<semaphore_mem>>) src(%dma_wait3A_93 : memref<10000x128xf32, #tpu.memory_space<hbm>>) dst(%arg10 : memref<80x128xf32, #tpu.memory_space<vmem>>)
      %add3A_94 = arith.constant 2 : i32
      %add3A_95 = arith.addi %mul3A_75, %add3A_94 : i32
      %lt3A = arith.constant 125 : i32
      %lt3A_96 = arith.cmpi slt, %add3A_95, %lt3A : i32
      %convert_element_type3A = arith.extui %lt3A_96 : i1 to i32
      %cond3A = arith.constant 0 : i32
      %cond3A_97 = arith.cmpi ne, %convert_element_type3A, %cond3A : i32
      scf.if %cond3A_97 {
        %add3A_100 = arith.constant 2 : i32
        %add3A_101 = arith.addi %mul3A_75, %add3A_100 : i32
        %mul3A_102 = arith.constant 80 : i32
        %mul3A_103 = arith.muli %add3A_101, %mul3A_102 : i32
        %dma_start3A_104 = tpu.memref_slice %arg6[%mul3A_103] : memref<10000xi32, #tpu.memory_space<vmem>> -> memref<80xi32, #tpu.memory_space<vmem>>
        %dma_start3A_105 = arith.constant 0 : i32
        %dma_start3A_106 = arith.constant 0 : i32
        %dma_start3A_107 = tpu.memref_slice %arg4[%dma_start3A_105, %dma_start3A_106] : memref<10000x128xf32, #tpu.memory_space<hbm>> -> memref<10000x128xf32, #tpu.memory_space<hbm>>
        tpu.enqueue_indirect_dma source(%dma_start3A_107 : memref<10000x128xf32, #tpu.memory_space<hbm>>) target(%arg9 : memref<80x128xf32, #tpu.memory_space<vmem>>) offsets(%dma_start3A_104 : memref<80xi32, #tpu.memory_space<vmem>>) semaphore(%arg12 : memref<!tpu.dma_semaphore, #tpu.memory_space<semaphore_mem>>)
      } else {
      }
      %add3A_98 = arith.constant 1 : i32
      %add3A_99 = arith.addi %mul3A_75, %add3A_98 : i32
      "tpu.region"() ({
        %run_scoped3A_100 = tpu.sem_alloc : memref<!tpu.dma_semaphore, #tpu.memory_space<semaphore_mem>>
        %dma_start3A_101 = arith.constant 0 : i32
        %dma_start3A_102 = tpu.memref_slice %arg8[%add3A_99, %dma_start3A_101] : memref<125x80xi32, #tpu.memory_space<vmem>> -> memref<1x80xi32, #tpu.memory_space<vmem>>
        %dma_start3A_103 = tpu.memref_squeeze %dma_start3A_102 : memref<1x80xi32, #tpu.memory_space<vmem>> -> memref<80xi32, #tpu.memory_space<vmem>>
        %dma_start3A_104 = arith.constant 0 : i32
        %dma_start3A_105 = arith.constant 0 : i32
        %dma_start3A_106 = tpu.memref_slice %arg11[%dma_start3A_104, %dma_start3A_105] : memref<10112x128xf32, #tpu.memory_space<vmem_shared>> -> memref<10112x128xf32, #tpu.memory_space<vmem_shared>>
        tpu.enqueue_indirect_dma source(%arg10 : memref<80x128xf32, #tpu.memory_space<vmem>>) target(%dma_start3A_106 : memref<10112x128xf32, #tpu.memory_space<vmem_shared>>) offsets(%dma_start3A_103 : memref<80xi32, #tpu.memory_space<vmem>>) semaphore(%run_scoped3A_100 : memref<!tpu.dma_semaphore, #tpu.memory_space<semaphore_mem>>) {add = true}
        %dma_wait3A_107 = arith.constant 0 : i32
        %dma_wait3A_108 = tpu.memref_slice %arg8[%add3A_99, %dma_wait3A_107] : memref<125x80xi32, #tpu.memory_space<vmem>> -> memref<1x80xi32, #tpu.memory_space<vmem>>
        %dma_wait3A_109 = tpu.memref_squeeze %dma_wait3A_108 : memref<1x80xi32, #tpu.memory_space<vmem>> -> memref<80xi32, #tpu.memory_space<vmem>>
        %dma_wait3A_110 = arith.constant 0 : i32
        %dma_wait3A_111 = arith.constant 0 : i32
        %dma_wait3A_112 = tpu.memref_slice %arg11[%dma_wait3A_110, %dma_wait3A_111] : memref<10112x128xf32, #tpu.memory_space<vmem_shared>> -> memref<10112x128xf32, #tpu.memory_space<vmem_shared>>
        tpu.wait_indirect_dma semaphore(%run_scoped3A_100 : memref<!tpu.dma_semaphore, #tpu.memory_space<semaphore_mem>>) src(%arg10 : memref<80x128xf32, #tpu.memory_space<vmem>>) dst(%dma_wait3A_112 : memref<10112x128xf32, #tpu.memory_space<vmem_shared>>)
        tpu.yield
      }) : () -> ()
    }
    %while3A_66 = arith.constant 1 : i32
    scf.for %while3A_73 = %while3A_64 to %while3A_60 step %while3A_66  : i32 {
      %mul3A_74 = arith.constant 2 : i32
      %mul3A_75 = arith.muli %while3A_73, %mul3A_74 : i32
      %dma_wait3A_76 = arith.constant 0 : i32
      %dma_wait3A_77 = tpu.memref_slice %arg6[%dma_wait3A_76] : memref<10000xi32, #tpu.memory_space<vmem>> -> memref<80xi32, #tpu.memory_space<vmem>>
      %dma_wait3A_78 = arith.constant 0 : i32
      %dma_wait3A_79 = arith.constant 0 : i32
      %dma_wait3A_80 = tpu.memref_slice %arg4[%dma_wait3A_78, %dma_wait3A_79] : memref<10000x128xf32, #tpu.memory_space<hbm>> -> memref<10000x128xf32, #tpu.memory_space<hbm>>
      tpu.wait_indirect_dma semaphore(%arg12 : memref<!tpu.dma_semaphore, #tpu.memory_space<semaphore_mem>>) src(%dma_wait3A_80 : memref<10000x128xf32, #tpu.memory_space<hbm>>) dst(%arg9 : memref<80x128xf32, #tpu.memory_space<vmem>>)
      %add3A_81 = arith.constant 1 : i32
      %add3A_82 = arith.addi %mul3A_75, %add3A_81 : i32
      %mul3A_83 = arith.constant 80 : i32
      %mul3A_84 = arith.muli %add3A_82, %mul3A_83 : i32
      %dma_start3A_85 = tpu.memref_slice %arg6[%mul3A_84] : memref<10000xi32, #tpu.memory_space<vmem>> -> memref<80xi32, #tpu.memory_space<vmem>>
      %dma_start3A_86 = arith.constant 0 : i32
      %dma_start3A_87 = arith.constant 0 : i32
      %dma_start3A_88 = tpu.memref_slice %arg4[%dma_start3A_86, %dma_start3A_87] : memref<10000x128xf32, #tpu.memory_space<hbm>> -> memref<10000x128xf32, #tpu.memory_space<hbm>>
      tpu.enqueue_indirect_dma source(%dma_start3A_88 : memref<10000x128xf32, #tpu.memory_space<hbm>>) target(%arg10 : memref<80x128xf32, #tpu.memory_space<vmem>>) offsets(%dma_start3A_85 : memref<80xi32, #tpu.memory_space<vmem>>) semaphore(%arg13 : memref<!tpu.dma_semaphore, #tpu.memory_space<semaphore_mem>>)
      "tpu.region"() ({
        %run_scoped3A_100 = tpu.sem_alloc : memref<!tpu.dma_semaphore, #tpu.memory_space<semaphore_mem>>
        %dma_start3A_101 = arith.constant 0 : i32
        %dma_start3A_102 = tpu.memref_slice %arg8[%mul3A_75, %dma_start3A_101] : memref<125x80xi32, #tpu.memory_space<vmem>> -> memref<1x80xi32, #tpu.memory_space<vmem>>
        %dma_start3A_103 = tpu.memref_squeeze %dma_start3A_102 : memref<1x80xi32, #tpu.memory_space<vmem>> -> memref<80xi32, #tpu.memory_space<vmem>>
        %dma_start3A_104 = arith.constant 0 : i32
        %dma_start3A_105 = arith.constant 0 : i32
        %dma_start3A_106 = tpu.memref_slice %arg11[%dma_start3A_104, %dma_start3A_105] : memref<10112x128xf32, #tpu.memory_space<vmem_shared>> -> memref<10112x128xf32, #tpu.memory_space<vmem_shared>>
        tpu.enqueue_indirect_dma source(%arg9 : memref<80x128xf32, #tpu.memory_space<vmem>>) target(%dma_start3A_106 : memref<10112x128xf32, #tpu.memory_space<vmem_shared>>) offsets(%dma_start3A_103 : memref<80xi32, #tpu.memory_space<vmem>>) semaphore(%run_scoped3A_100 : memref<!tpu.dma_semaphore, #tpu.memory_space<semaphore_mem>>) {add = true}
        %dma_wait3A_107 = arith.constant 0 : i32
        %dma_wait3A_108 = tpu.memref_slice %arg8[%mul3A_75, %dma_wait3A_107] : memref<125x80xi32, #tpu.memory_space<vmem>> -> memref<1x80xi32, #tpu.memory_space<vmem>>
        %dma_wait3A_109 = tpu.memref_squeeze %dma_wait3A_108 : memref<1x80xi32, #tpu.memory_space<vmem>> -> memref<80xi32, #tpu.memory_space<vmem>>
        %dma_wait3A_110 = arith.constant 0 : i32
        %dma_wait3A_111 = arith.constant 0 : i32
        %dma_wait3A_112 = tpu.memref_slice %arg11[%dma_wait3A_110, %dma_wait3A_111] : memref<10112x128xf32, #tpu.memory_space<vmem_shared>> -> memref<10112x128xf32, #tpu.memory_space<vmem_shared>>
        tpu.wait_indirect_dma semaphore(%run_scoped3A_100 : memref<!tpu.dma_semaphore, #tpu.memory_space<semaphore_mem>>) src(%arg9 : memref<80x128xf32, #tpu.memory_space<vmem>>) dst(%dma_wait3A_112 : memref<10112x128xf32, #tpu.memory_space<vmem_shared>>)
        tpu.yield
      }) : () -> ()
      %dma_wait3A_89 = arith.constant 0 : i32
      %dma_wait3A_90 = tpu.memref_slice %arg6[%dma_wait3A_89] : memref<10000xi32, #tpu.memory_space<vmem>> -> memref<80xi32, #tpu.memory_space<vmem>>
      %dma_wait3A_91 = arith.constant 0 : i32
      %dma_wait3A_92 = arith.constant 0 : i32
      %dma_wait3A_93 = tpu.memref_slice %arg4[%dma_wait3A_91, %dma_wait3A_92] : memref<10000x128xf32, #tpu.memory_space<hbm>> -> memref<10000x128xf32, #tpu.memory_space<hbm>>
      tpu.wait_indirect_dma semaphore(%arg13 : memref<!tpu.dma_semaphore, #tpu.memory_space<semaphore_mem>>) src(%dma_wait3A_93 : memref<10000x128xf32, #tpu.memory_space<hbm>>) dst(%arg10 : memref<80x128xf32, #tpu.memory_space<vmem>>)
      %add3A_94 = arith.constant 2 : i32
      %add3A_95 = arith.addi %mul3A_75, %add3A_94 : i32
      %lt3A = arith.constant 125 : i32
      %lt3A_96 = arith.cmpi slt, %add3A_95, %lt3A : i32
      %convert_element_type3A = arith.extui %lt3A_96 : i1 to i32
      %cond3A = arith.constant 0 : i32
      %cond3A_97 = arith.cmpi ne, %convert_element_type3A, %cond3A : i32
      scf.if %cond3A_97 {
        %add3A_100 = arith.constant 2 : i32
        %add3A_101 = arith.addi %mul3A_75, %add3A_100 : i32
        %mul3A_102 = arith.constant 80 : i32
        %mul3A_103 = arith.muli %add3A_101, %mul3A_102 : i32
        %dma_start3A_104 = tpu.memref_slice %arg6[%mul3A_103] : memref<10000xi32, #tpu.memory_space<vmem>> -> memref<80xi32, #tpu.memory_space<vmem>>
        %dma_start3A_105 = arith.constant 0 : i32
        %dma_start3A_106 = arith.constant 0 : i32
        %dma_start3A_107 = tpu.memref_slice %arg4[%dma_start3A_105, %dma_start3A_106] : memref<10000x128xf32, #tpu.memory_space<hbm>> -> memref<10000x128xf32, #tpu.memory_space<hbm>>
        tpu.enqueue_indirect_dma source(%dma_start3A_107 : memref<10000x128xf32, #tpu.memory_space<hbm>>) target(%arg9 : memref<80x128xf32, #tpu.memory_space<vmem>>) offsets(%dma_start3A_104 : memref<80xi32, #tpu.memory_space<vmem>>) semaphore(%arg12 : memref<!tpu.dma_semaphore, #tpu.memory_space<semaphore_mem>>)
      } else {
      }
      %add3A_98 = arith.constant 1 : i32
      %add3A_99 = arith.addi %mul3A_75, %add3A_98 : i32
      "tpu.region"() ({
        %run_scoped3A_100 = tpu.sem_alloc : memref<!tpu.dma_semaphore, #tpu.memory_space<semaphore_mem>>
        %dma_start3A_101 = arith.constant 0 : i32
        %dma_start3A_102 = tpu.memref_slice %arg8[%add3A_99, %dma_start3A_101] : memref<125x80xi32, #tpu.memory_space<vmem>> -> memref<1x80xi32, #tpu.memory_space<vmem>>
        %dma_start3A_103 = tpu.memref_squeeze %dma_start3A_102 : memref<1x80xi32, #tpu.memory_space<vmem>> -> memref<80xi32, #tpu.memory_space<vmem>>
        %dma_start3A_104 = arith.constant 0 : i32
        %dma_start3A_105 = arith.constant 0 : i32
        %dma_start3A_106 = tpu.memref_slice %arg11[%dma_start3A_104, %dma_start3A_105] : memref<10112x128xf32, #tpu.memory_space<vmem_shared>> -> memref<10112x128xf32, #tpu.memory_space<vmem_shared>>
        tpu.enqueue_indirect_dma source(%arg10 : memref<80x128xf32, #tpu.memory_space<vmem>>) target(%dma_start3A_106 : memref<10112x128xf32, #tpu.memory_space<vmem_shared>>) offsets(%dma_start3A_103 : memref<80xi32, #tpu.memory_space<vmem>>) semaphore(%run_scoped3A_100 : memref<!tpu.dma_semaphore, #tpu.memory_space<semaphore_mem>>) {add = true}
        %dma_wait3A_107 = arith.constant 0 : i32
        %dma_wait3A_108 = tpu.memref_slice %arg8[%add3A_99, %dma_wait3A_107] : memref<125x80xi32, #tpu.memory_space<vmem>> -> memref<1x80xi32, #tpu.memory_space<vmem>>
        %dma_wait3A_109 = tpu.memref_squeeze %dma_wait3A_108 : memref<1x80xi32, #tpu.memory_space<vmem>> -> memref<80xi32, #tpu.memory_space<vmem>>
        %dma_wait3A_110 = arith.constant 0 : i32
        %dma_wait3A_111 = arith.constant 0 : i32
        %dma_wait3A_112 = tpu.memref_slice %arg11[%dma_wait3A_110, %dma_wait3A_111] : memref<10112x128xf32, #tpu.memory_space<vmem_shared>> -> memref<10112x128xf32, #tpu.memory_space<vmem_shared>>
        tpu.wait_indirect_dma semaphore(%run_scoped3A_100 : memref<!tpu.dma_semaphore, #tpu.memory_space<semaphore_mem>>) src(%arg10 : memref<80x128xf32, #tpu.memory_space<vmem>>) dst(%dma_wait3A_112 : memref<10112x128xf32, #tpu.memory_space<vmem_shared>>)
        tpu.yield
      }) : () -> ()
    }
    %dma_wait3A = arith.constant 0 : i32
    %dma_wait3A_67 = tpu.memref_slice %arg6[%dma_wait3A] : memref<10000xi32, #tpu.memory_space<vmem>> -> memref<80xi32, #tpu.memory_space<vmem>>
    %dma_wait3A_68 = arith.constant 0 : i32
    %dma_wait3A_69 = arith.constant 0 : i32
    %dma_wait3A_70 = tpu.memref_slice %arg4[%dma_wait3A_68, %dma_wait3A_69] : memref<10000x128xf32, #tpu.memory_space<hbm>> -> memref<10000x128xf32, #tpu.memory_space<hbm>>
    tpu.wait_indirect_dma semaphore(%arg12 : memref<!tpu.dma_semaphore, #tpu.memory_space<semaphore_mem>>) src(%dma_wait3A_70 : memref<10000x128xf32, #tpu.memory_space<hbm>>) dst(%arg9 : memref<80x128xf32, #tpu.memory_space<vmem>>)
    %run_scoped3A_71 = arith.constant 124 : i32
    "tpu.region"() ({
      %run_scoped3A_73 = tpu.sem_alloc : memref<!tpu.dma_semaphore, #tpu.memory_space<semaphore_mem>>
      %dma_start3A_74 = arith.constant 0 : i32
      %dma_start3A_75 = tpu.memref_slice %arg8[%run_scoped3A_71, %dma_start3A_74] : memref<125x80xi32, #tpu.memory_space<vmem>> -> memref<1x80xi32, #tpu.memory_space<vmem>>
      %dma_start3A_76 = tpu.memref_squeeze %dma_start3A_75 : memref<1x80xi32, #tpu.memory_space<vmem>> -> memref<80xi32, #tpu.memory_space<vmem>>
      %dma_start3A_77 = arith.constant 0 : i32
      %dma_start3A_78 = arith.constant 0 : i32
      %dma_start3A_79 = tpu.memref_slice %arg11[%dma_start3A_77, %dma_start3A_78] : memref<10112x128xf32, #tpu.memory_space<vmem_shared>> -> memref<10112x128xf32, #tpu.memory_space<vmem_shared>>
      tpu.enqueue_indirect_dma source(%arg9 : memref<80x128xf32, #tpu.memory_space<vmem>>) target(%dma_start3A_79 : memref<10112x128xf32, #tpu.memory_space<vmem_shared>>) offsets(%dma_start3A_76 : memref<80xi32, #tpu.memory_space<vmem>>) semaphore(%run_scoped3A_73 : memref<!tpu.dma_semaphore, #tpu.memory_space<semaphore_mem>>) {add = true}
      %dma_wait3A_80 = arith.constant 0 : i32
      %dma_wait3A_81 = tpu.memref_slice %arg8[%run_scoped3A_71, %dma_wait3A_80] : memref<125x80xi32, #tpu.memory_space<vmem>> -> memref<1x80xi32, #tpu.memory_space<vmem>>
      %dma_wait3A_82 = tpu.memref_squeeze %dma_wait3A_81 : memref<1x80xi32, #tpu.memory_space<vmem>> -> memref<80xi32, #tpu.memory_space<vmem>>
      %dma_wait3A_83 = arith.constant 0 : i32
      %dma_wait3A_84 = arith.constant 0 : i32
      %dma_wait3A_85 = tpu.memref_slice %arg11[%dma_wait3A_83, %dma_wait3A_84] : memref<10112x128xf32, #tpu.memory_space<vmem_shared>> -> memref<10112x128xf32, #tpu.memory_space<vmem_shared>>
      tpu.wait_indirect_dma semaphore(%run_scoped3A_73 : memref<!tpu.dma_semaphore, #tpu.memory_space<semaphore_mem>>) src(%arg9 : memref<80x128xf32, #tpu.memory_space<vmem>>) dst(%dma_wait3A_85 : memref<10112x128xf32, #tpu.memory_space<vmem_shared>>)
      tpu.yield
    }) : () -> ()
    %barrier3A_72 = arith.constant 0 : index
    tpu.barrier barrier_id(%barrier3A_72)
    "tpu.region"() ({
      %run_scoped3A_73 = tpu.sem_alloc : memref<!tpu.dma_semaphore, #tpu.memory_space<semaphore_mem>>
      %dma_start3A_74 = arith.constant 0 : i32
      %dma_start3A_75 = tpu.memref_slice %arg5[%arg0, %mul3A_4, %dma_start3A_74] : memref<2x10112x128xf32, #tpu.memory_space<hbm>> -> memref<1x632x128xf32, #tpu.memory_space<hbm>>
      %dma_start3A_76 = tpu.memref_squeeze %dma_start3A_75 : memref<1x632x128xf32, #tpu.memory_space<hbm>> -> memref<632x128xf32, #tpu.memory_space<hbm>>
      %dma_start3A_77 = arith.constant 0 : i32
      %dma_start3A_78 = tpu.memref_slice %arg11[%mul3A_4, %dma_start3A_77] : memref<10112x128xf32, #tpu.memory_space<vmem_shared>> -> memref<632x128xf32, #tpu.memory_space<vmem_shared>>
      tpu.enqueue_dma source(%dma_start3A_78 : memref<632x128xf32, #tpu.memory_space<vmem_shared>>) target(%dma_start3A_76 : memref<632x128xf32, #tpu.memory_space<hbm>>) target_semaphore(%run_scoped3A_73 : memref<!tpu.dma_semaphore, #tpu.memory_space<semaphore_mem>>)
      %dma_wait3A_79 = arith.constant 0 : i32
      %dma_wait3A_80 = tpu.memref_slice %arg5[%arg0, %mul3A_4, %dma_wait3A_79] : memref<2x10112x128xf32, #tpu.memory_space<hbm>> -> memref<1x632x128xf32, #tpu.memory_space<hbm>>
      %dma_wait3A_81 = tpu.memref_squeeze %dma_wait3A_80 : memref<1x632x128xf32, #tpu.memory_space<hbm>> -> memref<632x128xf32, #tpu.memory_space<hbm>>
      %dma_wait3A_82 = arith.constant 0 : i32
      %dma_wait3A_83 = tpu.memref_slice %arg11[%mul3A_4, %dma_wait3A_82] : memref<10112x128xf32, #tpu.memory_space<vmem_shared>> -> memref<632x128xf32, #tpu.memory_space<vmem_shared>>
      tpu.wait_dma2 semaphore(%run_scoped3A_73 : memref<!tpu.dma_semaphore, #tpu.memory_space<semaphore_mem>>) src(%dma_wait3A_83 : memref<632x128xf32, #tpu.memory_space<vmem_shared>>) dst(%dma_wait3A_81 : memref<632x128xf32, #tpu.memory_space<hbm>>)
      tpu.yield
    }) : () -> ()
    return
  }
}

#map = affine_map<(d0, d1) -> (0)>
module attributes {stable_mosaic.version = 14 : i64} {
  func.func @_deg_body(%arg0: i32, %arg1: i32, %arg2: memref<320000xi32, #tpu.memory_space<hbm>>, %arg3: memref<320000xi32, #tpu.memory_space<hbm>>, %arg4: memref<323584xf32, #tpu.memory_space<hbm>>, %arg5: memref<323584xf32, #tpu.memory_space<hbm>>, %arg6: memref<10000xi32, #tpu.memory_space<vmem>>, %arg7: memref<10000xi32, #tpu.memory_space<vmem>>, %arg8: memref<10112xf32, #tpu.memory_space<vmem>>, %arg9: memref<10112xf32, #tpu.memory_space<vmem>>) attributes {dimension_semantics = [#tpu.dimension_semantics<core_parallel>, #tpu.dimension_semantics<subcore_parallel>], iteration_bounds = array<i64: 2, 16>, scalar_prefetch = 0 : i64, scratch_operands = 4 : i64, tpu.core_type = #tpu.core_type<sc_vector_subcore>, window_params = [{transform_indices = #map}, {transform_indices = #map}, {transform_indices = #map}, {transform_indices = #map}]} {
    %mul3A = arith.constant 16 : i32
    %mul3A_0 = arith.muli %arg0, %mul3A : i32
    %add3A = arith.addi %mul3A_0, %arg1 : i32
    %mul3A_1 = arith.constant 10000 : i32
    %mul3A_2 = arith.muli %add3A, %mul3A_1 : i32
    %while3A = arith.constant 0 : i32
    %while3A_3 = arith.constant 0 : i32
    %while3A_4 = arith.constant 632 : i32
    %while3A_5 = arith.subi %while3A_4, %while3A_3 : i32
    %while3A_6 = arith.addi %while3A_3, %while3A_5 : i32
    %while3A_7 = arith.constant 1 : i32
    %while3A_8 = arith.divsi %while3A_5, %while3A_7 : i32
    %while3A_9 = arith.muli %while3A_8, %while3A_7 : i32
    %while3A_10 = arith.addi %while3A_3, %while3A_9 : i32
    %while3A_11 = arith.constant 1 : i32
    scf.for %while3A_29 = %while3A_3 to %while3A_10 step %while3A_11  : i32 {
      %mul3A_30 = arith.constant 16 : i32
      %mul3A_31 = arith.muli %while3A_29, %mul3A_30 : i32
      %broadcast_in_dim3A_32 = arith.constant 0.000000e+00 : f32
      %broadcast_in_dim3A_33 = vector.broadcast %broadcast_in_dim3A_32 : f32 to vector<16xf32>
      %swap3A = arith.index_cast %mul3A_31 : i32 to index
      %swap3A_34 = tpu.vector_load %arg8[%swap3A] {strides = array<i32>} : memref<10112xf32, #tpu.memory_space<vmem>>, vector<16xf32>,
      tpu.vector_store %arg8[%swap3A], %broadcast_in_dim3A_33 {strides = array<i32>} : memref<10112xf32, #tpu.memory_space<vmem>>, vector<16xf32>,
      %swap3A_35 = arith.index_cast %mul3A_31 : i32 to index
      %swap3A_36 = tpu.vector_load %arg9[%swap3A_35] {strides = array<i32>} : memref<10112xf32, #tpu.memory_space<vmem>>, vector<16xf32>,
      tpu.vector_store %arg9[%swap3A_35], %broadcast_in_dim3A_33 {strides = array<i32>} : memref<10112xf32, #tpu.memory_space<vmem>>, vector<16xf32>,
    }
    %while3A_12 = arith.constant 1 : i32
    scf.for %while3A_29 = %while3A_10 to %while3A_6 step %while3A_12  : i32 {
      %mul3A_30 = arith.constant 16 : i32
      %mul3A_31 = arith.muli %while3A_29, %mul3A_30 : i32
      %broadcast_in_dim3A_32 = arith.constant 0.000000e+00 : f32
      %broadcast_in_dim3A_33 = vector.broadcast %broadcast_in_dim3A_32 : f32 to vector<16xf32>
      %swap3A = arith.index_cast %mul3A_31 : i32 to index
      %swap3A_34 = tpu.vector_load %arg8[%swap3A] {strides = array<i32>} : memref<10112xf32, #tpu.memory_space<vmem>>, vector<16xf32>,
      tpu.vector_store %arg8[%swap3A], %broadcast_in_dim3A_33 {strides = array<i32>} : memref<10112xf32, #tpu.memory_space<vmem>>, vector<16xf32>,
      %swap3A_35 = arith.index_cast %mul3A_31 : i32 to index
      %swap3A_36 = tpu.vector_load %arg9[%swap3A_35] {strides = array<i32>} : memref<10112xf32, #tpu.memory_space<vmem>>, vector<16xf32>,
      tpu.vector_store %arg9[%swap3A_35], %broadcast_in_dim3A_33 {strides = array<i32>} : memref<10112xf32, #tpu.memory_space<vmem>>, vector<16xf32>,
    }
    "tpu.region"() ({
      %run_scoped3A = tpu.sem_alloc : memref<!tpu.dma_semaphore, #tpu.memory_space<semaphore_mem>>
      %dma_start3A = tpu.memref_slice %arg2[%mul3A_2] : memref<320000xi32, #tpu.memory_space<hbm>> -> memref<10000xi32, #tpu.memory_space<hbm>>
      %dma_start3A_29 = tpu.memref_slice %arg2[%mul3A_2] : memref<320000xi32, #tpu.memory_space<hbm>> -> memref<10000xi32, #tpu.memory_space<hbm>>
      tpu.enqueue_dma source(%dma_start3A_29 : memref<10000xi32, #tpu.memory_space<hbm>>) target(%arg6 : memref<10000xi32, #tpu.memory_space<vmem>>) target_semaphore(%run_scoped3A : memref<!tpu.dma_semaphore, #tpu.memory_space<semaphore_mem>>)
      %dma_wait3A = tpu.memref_slice %arg2[%mul3A_2] : memref<320000xi32, #tpu.memory_space<hbm>> -> memref<10000xi32, #tpu.memory_space<hbm>>
      %dma_wait3A_30 = tpu.memref_slice %arg2[%mul3A_2] : memref<320000xi32, #tpu.memory_space<hbm>> -> memref<10000xi32, #tpu.memory_space<hbm>>
      tpu.wait_dma2 semaphore(%run_scoped3A : memref<!tpu.dma_semaphore, #tpu.memory_space<semaphore_mem>>) src(%dma_wait3A_30 : memref<10000xi32, #tpu.memory_space<hbm>>) dst(%arg6 : memref<10000xi32, #tpu.memory_space<vmem>>)
      tpu.yield
    }) : () -> ()
    "tpu.region"() ({
      %run_scoped3A = tpu.sem_alloc : memref<!tpu.dma_semaphore, #tpu.memory_space<semaphore_mem>>
      %dma_start3A = tpu.memref_slice %arg3[%mul3A_2] : memref<320000xi32, #tpu.memory_space<hbm>> -> memref<10000xi32, #tpu.memory_space<hbm>>
      %dma_start3A_29 = tpu.memref_slice %arg3[%mul3A_2] : memref<320000xi32, #tpu.memory_space<hbm>> -> memref<10000xi32, #tpu.memory_space<hbm>>
      tpu.enqueue_dma source(%dma_start3A_29 : memref<10000xi32, #tpu.memory_space<hbm>>) target(%arg7 : memref<10000xi32, #tpu.memory_space<vmem>>) target_semaphore(%run_scoped3A : memref<!tpu.dma_semaphore, #tpu.memory_space<semaphore_mem>>)
      %dma_wait3A = tpu.memref_slice %arg3[%mul3A_2] : memref<320000xi32, #tpu.memory_space<hbm>> -> memref<10000xi32, #tpu.memory_space<hbm>>
      %dma_wait3A_30 = tpu.memref_slice %arg3[%mul3A_2] : memref<320000xi32, #tpu.memory_space<hbm>> -> memref<10000xi32, #tpu.memory_space<hbm>>
      tpu.wait_dma2 semaphore(%run_scoped3A : memref<!tpu.dma_semaphore, #tpu.memory_space<semaphore_mem>>) src(%dma_wait3A_30 : memref<10000xi32, #tpu.memory_space<hbm>>) dst(%arg7 : memref<10000xi32, #tpu.memory_space<vmem>>)
      tpu.yield
    }) : () -> ()
    %broadcast_in_dim3A = arith.constant 1.000000e+00 : f32
    %broadcast_in_dim3A_13 = vector.broadcast %broadcast_in_dim3A : f32 to vector<16xf32>
    %while3A_14 = arith.constant 0 : i32
    %while3A_15 = arith.constant 0 : i32
    %while3A_16 = arith.constant 625 : i32
    %while3A_17 = arith.subi %while3A_16, %while3A_15 : i32
    %while3A_18 = arith.addi %while3A_15, %while3A_17 : i32
    %while3A_19 = arith.constant 1 : i32
    %while3A_20 = arith.divsi %while3A_17, %while3A_19 : i32
    %while3A_21 = arith.muli %while3A_20, %while3A_19 : i32
    %while3A_22 = arith.addi %while3A_15, %while3A_21 : i32
    %while3A_23 = arith.constant 1 : i32
    scf.for %while3A_29 = %while3A_15 to %while3A_22 step %while3A_23  : i32 {
      %mul3A_30 = arith.constant 16 : i32
      %mul3A_31 = arith.muli %while3A_29, %mul3A_30 : i32
      %get3A = arith.index_cast %mul3A_31 : i32 to index
      %get3A_32 = tpu.vector_load %arg6[%get3A] {strides = array<i32>} : memref<10000xi32, #tpu.memory_space<vmem>>, vector<16xi32>,
      %get3A_33 = arith.index_cast %mul3A_31 : i32 to index
      %get3A_34 = tpu.vector_load %arg7[%get3A_33] {strides = array<i32>} : memref<10000xi32, #tpu.memory_space<vmem>>, vector<16xi32>,
      %eq3A = arith.cmpi eq, %get3A_32, %get3A_34 : vector<16xi32>
      %jit3A = arith.constant 10000 : i32
      %broadcast_in_dim3A_35 = vector.broadcast %jit3A : i32 to vector<16xi32>
      %select_n3A = arith.select %eq3A, %broadcast_in_dim3A_35, %get3A_32 : vector<16xi1>, vector<16xi32>
      tpu.vector_store_idx %arg8[%select_n3A], %broadcast_in_dim3A_13 {add = true} : memref<10112xf32, #tpu.memory_space<vmem>>[vector<16xi32>], vector<16xf32>,
      %jit3A_36 = arith.constant 10000 : i32
      %broadcast_in_dim3A_37 = vector.broadcast %jit3A_36 : i32 to vector<16xi32>
      %select_n3A_38 = arith.select %eq3A, %broadcast_in_dim3A_37, %get3A_34 : vector<16xi1>, vector<16xi32>
      tpu.vector_store_idx %arg9[%select_n3A_38], %broadcast_in_dim3A_13 {add = true} : memref<10112xf32, #tpu.memory_space<vmem>>[vector<16xi32>], vector<16xf32>,
    }
    %while3A_24 = arith.constant 1 : i32
    scf.for %while3A_29 = %while3A_22 to %while3A_18 step %while3A_24  : i32 {
      %mul3A_30 = arith.constant 16 : i32
      %mul3A_31 = arith.muli %while3A_29, %mul3A_30 : i32
      %get3A = arith.index_cast %mul3A_31 : i32 to index
      %get3A_32 = tpu.vector_load %arg6[%get3A] {strides = array<i32>} : memref<10000xi32, #tpu.memory_space<vmem>>, vector<16xi32>,
      %get3A_33 = arith.index_cast %mul3A_31 : i32 to index
      %get3A_34 = tpu.vector_load %arg7[%get3A_33] {strides = array<i32>} : memref<10000xi32, #tpu.memory_space<vmem>>, vector<16xi32>,
      %eq3A = arith.cmpi eq, %get3A_32, %get3A_34 : vector<16xi32>
      %jit3A = arith.constant 10000 : i32
      %broadcast_in_dim3A_35 = vector.broadcast %jit3A : i32 to vector<16xi32>
      %select_n3A = arith.select %eq3A, %broadcast_in_dim3A_35, %get3A_32 : vector<16xi1>, vector<16xi32>
      tpu.vector_store_idx %arg8[%select_n3A], %broadcast_in_dim3A_13 {add = true} : memref<10112xf32, #tpu.memory_space<vmem>>[vector<16xi32>], vector<16xf32>,
      %jit3A_36 = arith.constant 10000 : i32
      %broadcast_in_dim3A_37 = vector.broadcast %jit3A_36 : i32 to vector<16xi32>
      %select_n3A_38 = arith.select %eq3A, %broadcast_in_dim3A_37, %get3A_34 : vector<16xi1>, vector<16xi32>
      tpu.vector_store_idx %arg9[%select_n3A_38], %broadcast_in_dim3A_13 {add = true} : memref<10112xf32, #tpu.memory_space<vmem>>[vector<16xi32>], vector<16xf32>,
    }
    %mul3A_25 = arith.constant 10112 : i32
    %mul3A_26 = arith.muli %add3A, %mul3A_25 : i32
    "tpu.region"() ({
      %run_scoped3A = tpu.sem_alloc : memref<!tpu.dma_semaphore, #tpu.memory_space<semaphore_mem>>
      %dma_start3A = tpu.memref_slice %arg4[%mul3A_26] : memref<323584xf32, #tpu.memory_space<hbm>> -> memref<10112xf32, #tpu.memory_space<hbm>>
      %dma_start3A_29 = tpu.memref_slice %arg4[%mul3A_26] : memref<323584xf32, #tpu.memory_space<hbm>> -> memref<10112xf32, #tpu.memory_space<hbm>>
      tpu.enqueue_dma source(%arg8 : memref<10112xf32, #tpu.memory_space<vmem>>) target(%dma_start3A_29 : memref<10112xf32, #tpu.memory_space<hbm>>) target_semaphore(%run_scoped3A : memref<!tpu.dma_semaphore, #tpu.memory_space<semaphore_mem>>)
      %dma_wait3A = tpu.memref_slice %arg4[%mul3A_26] : memref<323584xf32, #tpu.memory_space<hbm>> -> memref<10112xf32, #tpu.memory_space<hbm>>
      %dma_wait3A_30 = tpu.memref_slice %arg4[%mul3A_26] : memref<323584xf32, #tpu.memory_space<hbm>> -> memref<10112xf32, #tpu.memory_space<hbm>>
      tpu.wait_dma2 semaphore(%run_scoped3A : memref<!tpu.dma_semaphore, #tpu.memory_space<semaphore_mem>>) src(%arg8 : memref<10112xf32, #tpu.memory_space<vmem>>) dst(%dma_wait3A_30 : memref<10112xf32, #tpu.memory_space<hbm>>)
      tpu.yield
    }) : () -> ()
    %mul3A_27 = arith.constant 10112 : i32
    %mul3A_28 = arith.muli %add3A, %mul3A_27 : i32
    "tpu.region"() ({
      %run_scoped3A = tpu.sem_alloc : memref<!tpu.dma_semaphore, #tpu.memory_space<semaphore_mem>>
      %dma_start3A = tpu.memref_slice %arg5[%mul3A_28] : memref<323584xf32, #tpu.memory_space<hbm>> -> memref<10112xf32, #tpu.memory_space<hbm>>
      %dma_start3A_29 = tpu.memref_slice %arg5[%mul3A_28] : memref<323584xf32, #tpu.memory_space<hbm>> -> memref<10112xf32, #tpu.memory_space<hbm>>
      tpu.enqueue_dma source(%arg9 : memref<10112xf32, #tpu.memory_space<vmem>>) target(%dma_start3A_29 : memref<10112xf32, #tpu.memory_space<hbm>>) target_semaphore(%run_scoped3A : memref<!tpu.dma_semaphore, #tpu.memory_space<semaphore_mem>>)
      %dma_wait3A = tpu.memref_slice %arg5[%mul3A_28] : memref<323584xf32, #tpu.memory_space<hbm>> -> memref<10112xf32, #tpu.memory_space<hbm>>
      %dma_wait3A_30 = tpu.memref_slice %arg5[%mul3A_28] : memref<323584xf32, #tpu.memory_space<hbm>> -> memref<10112xf32, #tpu.memory_space<hbm>>
      tpu.wait_dma2 semaphore(%run_scoped3A : memref<!tpu.dma_semaphore, #tpu.memory_space<semaphore_mem>>) src(%arg9 : memref<10112xf32, #tpu.memory_space<vmem>>) dst(%dma_wait3A_30 : memref<10112xf32, #tpu.memory_space<hbm>>)
      tpu.yield
    }) : () -> ()
    return
  }
}

module attributes {stable_mosaic.version = 14 : i64} {
  func.func @_mm_body(%arg0: memref<10000x128xf32, #tpu.memory_space<vmem>>, %arg1: memref<128x128xf32, #tpu.memory_space<vmem>>, %arg2: memref<10000x128xf32, #tpu.memory_space<vmem>>) attributes {dimension_semantics = [], scalar_prefetch = 0 : i64, scratch_operands = 0 : i64, tpu.core_type = #tpu.core_type<tc>} {
    %get3A = arith.constant 0 : index
    %get3A_0 = arith.constant 0 : index
    %get3A_1 = vector.load %arg0[%get3A, %get3A_0] : memref<10000x128xf32, #tpu.memory_space<vmem>>, vector<10000x128xf32>
    %get3A_2 = arith.constant 0 : index
    %get3A_3 = arith.constant 0 : index
    %get3A_4 = vector.load %arg1[%get3A_2, %get3A_3] : memref<128x128xf32, #tpu.memory_space<vmem>>, vector<128x128xf32>
    %dot_general3A = arith.constant dense<0.000000e+00> : vector<10000x128xf32>
    %dot_general3A_5 = tpu.matmul %get3A_1, %get3A_4, %dot_general3A {dimension_numbers = #tpu.dot_dimension_numbers<[1], [0], [0], [1], [0, 0, 1, 1], [], []>, transpose_lhs_hint = false} : vector<10000x128xf32>, vector<128x128xf32>, vector<10000x128xf32> -> vector<10000x128xf32>
    %swap3A = arith.constant 0 : index
    %swap3A_6 = arith.constant 0 : index
    %swap3A_7 = vector.load %arg2[%swap3A, %swap3A_6] : memref<10000x128xf32, #tpu.memory_space<vmem>>, vector<10000x128xf32>
    tpu.vector_store %arg2[%swap3A, %swap3A_6], %dot_general3A_5 {strides = array<i32>} : memref<10000x128xf32, #tpu.memory_space<vmem>>, vector<10000x128xf32>,
    return
  }
}

module attributes {stable_mosaic.version = 14 : i64} {
  func.func @_fin_body(%arg0: memref<2x10112x128xf32, #tpu.memory_space<vmem>>, %arg1: memref<10000x128xf32, #tpu.memory_space<vmem>>, %arg2: memref<32x10112xf32, #tpu.memory_space<vmem>>, %arg3: memref<1x128xf32, #tpu.memory_space<vmem>>, %arg4: memref<10000x128xf32, #tpu.memory_space<vmem>>) attributes {dimension_semantics = [], scalar_prefetch = 0 : i64, scratch_operands = 0 : i64, tpu.core_type = #tpu.core_type<tc>} {
    %get3A = arith.constant 0 : index
    %get3A_0 = arith.constant 0 : index
    %get3A_1 = arith.constant 0 : index
    %get3A_2 = vector.load %arg0[%get3A, %get3A_0, %get3A_1] : memref<2x10112x128xf32, #tpu.memory_space<vmem>>, vector<1x10000x128xf32>
    %get3A_3 = vector.shape_cast %get3A_2 : vector<1x10000x128xf32> to vector<10000x128xf32>
    %get3A_4 = arith.constant 1 : index
    %get3A_5 = arith.constant 0 : index
    %get3A_6 = arith.constant 0 : index
    %get3A_7 = vector.load %arg0[%get3A_4, %get3A_5, %get3A_6] : memref<2x10112x128xf32, #tpu.memory_space<vmem>>, vector<1x10000x128xf32>
    %get3A_8 = vector.shape_cast %get3A_7 : vector<1x10000x128xf32> to vector<10000x128xf32>
    %add3A = arith.addf %get3A_3, %get3A_8 : vector<10000x128xf32>
    %get3A_9 = arith.constant 0 : index
    %get3A_10 = arith.constant 0 : index
    %get3A_11 = vector.load %arg1[%get3A_9, %get3A_10] : memref<10000x128xf32, #tpu.memory_space<vmem>>, vector<10000x128xf32>
    %add3A_12 = arith.addf %add3A, %get3A_11 : vector<10000x128xf32>
    %get3A_13 = arith.constant 0 : index
    %get3A_14 = arith.constant 0 : index
    %get3A_15 = vector.load %arg2[%get3A_13, %get3A_14] : memref<32x10112xf32, #tpu.memory_space<vmem>>, vector<32x10112xf32>
    %reduce_sum3A = arith.constant dense<0.000000e+00> : vector<10112xf32>
    %reduce_sum3A_16 = vector.multi_reduction <add>, %get3A_15, %reduce_sum3A [0] : vector<32x10112xf32> to vector<10112xf32>
    %slice3A = vector.extract_strided_slice %reduce_sum3A_16 {offsets = [0], sizes = [10000], strides = [1]} : vector<10112xf32> to vector<10000xf32>
    %broadcast_in_dim3A = vector.shape_cast %slice3A : vector<10000xf32> to vector<10000x1xf32>
    %add3A_17 = arith.constant 1.000000e+00 : f32
    %add3A_18 = vector.broadcast %add3A_17 : f32 to vector<10000x1xf32>
    %add3A_19 = arith.addf %broadcast_in_dim3A, %add3A_18 : vector<10000x1xf32>
    %rsqrt3A = math.rsqrt %add3A_19 : vector<10000x1xf32>
    %mul3A = vector.broadcast %rsqrt3A : vector<10000x1xf32> to vector<10000x128xf32>
    %mul3A_20 = arith.mulf %add3A_12, %mul3A : vector<10000x128xf32>
    %get3A_21 = arith.constant 0 : index
    %get3A_22 = arith.constant 0 : index
    %get3A_23 = vector.load %arg3[%get3A_21, %get3A_22] : memref<1x128xf32, #tpu.memory_space<vmem>>, vector<1x128xf32>
    %add3A_24 = vector.broadcast %get3A_23 : vector<1x128xf32> to vector<10000x128xf32>
    %add3A_25 = arith.addf %mul3A_20, %add3A_24 : vector<10000x128xf32>
    %swap3A = arith.constant 0 : index
    %swap3A_26 = arith.constant 0 : index
    %swap3A_27 = vector.load %arg4[%swap3A, %swap3A_26] : memref<10000x128xf32, #tpu.memory_space<vmem>>, vector<10000x128xf32>
    tpu.vector_store %arg4[%swap3A, %swap3A_26], %add3A_25 {strides = array<i32>} : memref<10000x128xf32, #tpu.memory_space<vmem>>, vector<10000x128xf32>,
    return
  }
}

module attributes {stable_mosaic.version = 14 : i64} {
  func.func @_scale_body(%arg0: memref<10000x128xf32, #tpu.memory_space<vmem>>, %arg1: memref<32x10112xf32, #tpu.memory_space<vmem>>, %arg2: memref<10000x128xf32, #tpu.memory_space<vmem>>) attributes {dimension_semantics = [], scalar_prefetch = 0 : i64, scratch_operands = 0 : i64, tpu.core_type = #tpu.core_type<tc>} {
    %get3A = arith.constant 0 : index
    %get3A_0 = arith.constant 0 : index
    %get3A_1 = vector.load %arg1[%get3A, %get3A_0] : memref<32x10112xf32, #tpu.memory_space<vmem>>, vector<32x10112xf32>
    %reduce_sum3A = arith.constant dense<0.000000e+00> : vector<10112xf32>
    %reduce_sum3A_2 = vector.multi_reduction <add>, %get3A_1, %reduce_sum3A [0] : vector<32x10112xf32> to vector<10112xf32>
    %slice3A = vector.extract_strided_slice %reduce_sum3A_2 {offsets = [0], sizes = [10000], strides = [1]} : vector<10112xf32> to vector<10000xf32>
    %broadcast_in_dim3A = vector.shape_cast %slice3A : vector<10000xf32> to vector<10000x1xf32>
    %add3A = arith.constant 1.000000e+00 : f32
    %add3A_3 = vector.broadcast %add3A : f32 to vector<10000x1xf32>
    %add3A_4 = arith.addf %broadcast_in_dim3A, %add3A_3 : vector<10000x1xf32>
    %get3A_5 = arith.constant 0 : index
    %get3A_6 = arith.constant 0 : index
    %get3A_7 = vector.load %arg0[%get3A_5, %get3A_6] : memref<10000x128xf32, #tpu.memory_space<vmem>>, vector<10000x128xf32>
    %rsqrt3A = math.rsqrt %add3A_4 : vector<10000x1xf32>
    %mul3A = vector.broadcast %rsqrt3A : vector<10000x1xf32> to vector<10000x128xf32>
    %mul3A_8 = arith.mulf %get3A_7, %mul3A : vector<10000x128xf32>
    %swap3A = arith.constant 0 : index
    %swap3A_9 = arith.constant 0 : index
    %swap3A_10 = vector.load %arg2[%swap3A, %swap3A_9] : memref<10000x128xf32, #tpu.memory_space<vmem>>, vector<10000x128xf32>
    tpu.vector_store %arg2[%swap3A, %swap3A_9], %mul3A_8 {strides = array<i32>} : memref<10000x128xf32, #tpu.memory_space<vmem>>, vector<10000x128xf32>,
    return
  }
}

</mosaic_0001>

<sc_bundles>
// kernel: kernel.10.cloned.1.call-start
scs
__scs_entry_jumppad:
0x0: {  	(pc) =	sbr.rel $0x88, $3  }
0x1: {  	(tag) =	ssettag $0x0;
	lr =	simm.s32 $0x1  }
0x2: {  	[smem:$0x3F9D] =	sst lr;
	_ =	strace $0xD0000000  }
0x3: {  	_ = 	snop  }
0x4: {  	_ = 	snop  }
0x5: {  	_ = 	snop  }
0x6: {  	_ = 	snop  }
0x7: {  	_ = 	snop  }
__scs_overlays_trampoline_lowered:
0x8: {  	[smem:$0x3FAC] =	sst s0  }
0x9: {  	[smem:$0x3FAD] =	sst s1  }
0xa: {  	[smem:$0x3FAE] =	sst s2  }
0xb: {  	[smem:$0x3FAF] =	sst s3  }
0xc: {  	[smem:$0x3FB0] =	sst s4  }
0xd: {  	[smem:$0x3FB1] =	sst s5  }
0xe: {  	[smem:$0x3FB2] =	sst s6  }
0xf: {  	[smem:$0x3FB3] =	sst s7  }
0x10: {  	[smem:$0x3FB4] =	sst s8  }
0x11: {  	[smem:$0x3FB5] =	sst s9;
	s0 =	simm.s32 @!p0 $0x0  }
0x12: {  	s1 =	sld [smem:$0x3F9B];
	s0 =	simm.s32 @p0 $0x1  }
0x13: {  	[smem:$0x3FB6] =	sst s0;
	s0 =	simm.s32 @!p1 $0x0  }
0x14: {  	s2 =	sld [smem:$0x3F9A];
	s0 =	simm.s32 @p1 $0x1  }
0x15: {  	[smem:$0x3FB7] =	sst s0;
	s0 =	simm.s32 @!p2 $0x0  }
0x16: {  	s3 =	sld [smem:$0x3FDB];
	s0 =	simm.s32 @p2 $0x1  }
0x17: {  	s4 =	simm.s32 $0x1BF5;
	[smem:$0x3FB9] =	sst s0  }
0x18: {  	s0 =	sld [smem:$0x3F9C];
	_ =	swait.ge [sflag:s4], $0x0  }
0x19: {  	s7 =	sld [smem:$0x3F9D]  }
0x1a: {  	s8 =	sadd.s32 $0xFFFFE003, lr  }
0x1b: {  	s9 =	sadd.s32 $0xFFFFFEF7, lr;
	s5 =	simm.s32 $0xFFFFFFFF;
	p2 =	slt.u32 s8, $0xFFFFF086  }
0x1c: {  	p1 =	slt.u32 s9, $0xF7A;
	s5 =	simm.s32 @!p2 $0x0  }
0x1d: {  	s5 =	simm.s32 @p1 $0x1;
	p0 =	seq.s32 s7, s2  }
0x1e: {  	s7 =	smul.u32 @!p0 $0xF7A, s2;
	p2 =	seq.s32 @!p0 s5, $0x0  }
0x1f: {  	s9 =	smul.u32 $0xF7A, s1;
	s8 =	simm.s32 @!p0 $0x1BF5;
	p2 =	por !p2, p0  }
0x20: {  	[sflag:s8] =	ssyncset.s32 @!p0 $0xFFFFF086;
	s6 =	sadd.s32 @!p0 s3, s7;
	s7 =	simm.s32 @!p0 $0x108  }
0x21: {  	s3 =	sadd.s32 s3, s9;
	s6 =	sadd.s32 @!p0 $0x88, s6;
	s7 =	simm.s32 @p2 $0x1082  }
0x22: {  	[simem:s7], [sflag:s8] =	dma.local @!p0 [hbm:s6], $0xF7A  }
0x23: {  	s9 =	sor.u32 $0xD0000000, s2;
	s6 =	simm.s32 $0x108;
	_ =	swait.ge @!p0 [sflag:s8], $0x0  }
0x24: {  	s3 =	sadd.s32 $0x88, s3;
	s6 =	simm.s32 @!p1 $0x1082;
	[sflag:s4] =	ssyncset.s32 $0xFFFFF086  }
0x25: {  	[simem:s6], [sflag:s4] =	dma.local [hbm:s3], $0xF7A  }
0x26: {  	[smem:$0x3F9D] =	sst s1;
	(tag) =	ssettag s2;
	_ =	strace s9  }
0x27: {  	s1 =	sld [smem:$0x3FAD]  }
0x28: {  	s2 =	sld [smem:$0x3FAE]  }
0x29: {  	s4 =	sld [smem:$0x3FB0]  }
0x2a: {  	p0 =	seq.s32 s5, $0x0;
	s5 =	sld [smem:$0x3FB1]  }
0x2b: {  	s6 =	sld [smem:$0x3FB2]  }
0x2c: {  	s7 =	sld [smem:$0x3FB3]  }
0x2d: {  	s3 =	simm.s32 $0x108;
	s8 =	sld [smem:$0x3FB4]  }
0x2e: {  	s3 =	simm.s32 @!p0 $0x1082;
	s9 =	sld [smem:$0x3FB5]  }
0x2f: {  	lr =	sadd.s32 s0, s3;
	s0 =	sld [smem:$0x3FAC]  }
0x30: {  	s3 =	sld [smem:$0x3FAF]  }
0x31: {  	[smem:$0x3FB8] =	sst s10  }
0x32: {  	s10 =	sld [smem:$0x3FB6];
	_ =	sdelay $0x3  }
0x33: {  	p0 =	seq.s32 s10, $0x1;
	s10 =	sld [smem:$0x3FB8];
	_ =	sdelay $0x3  }
0x34: {  	[smem:$0x3FB8] =	sst s10  }
0x35: {  	s10 =	sld [smem:$0x3FB7];
	_ =	sdelay $0x3  }
0x36: {  	p1 =	seq.s32 s10, $0x1;
	s10 =	sld [smem:$0x3FB8];
	_ =	sdelay $0x3  }
0x37: {  	[smem:$0x3FB8] =	sst s10  }
0x38: {  	s10 =	sld [smem:$0x3FB9]  }
0x39: {  	_ = 	snop;
	(pc) =	sbr.ind lr, $3  }
0x3a: {  	_ = 	snop  }
0x3b: {  	_ = 	snop  }
0x3c: {  	p2 =	seq.s32 s10, $0x1;
	s10 =	sld [smem:$0x3FB8]  }
0x3d: {  	_ =	shalt  }
0x3e: {  	_ =	shalt  }
0x3f: {  	_ =	shalt  }
0x40: {  	_ =	shalt  }
0x41: {  	_ =	shalt  }
0x42: {  	_ =	shalt  }
0x43: {  	_ =	shalt  }
0x44: {  	_ =	shalt  }
0x45: {  	_ =	shalt  }
0x46: {  	_ =	shalt  }
0x47: {  	_ =	shalt  }
0x48: {  	_ =	shalt  }
0x49: {  	_ =	shalt  }
0x4a: {  	_ =	shalt  }
0x4b: {  	_ =	shalt  }
0x4c: {  	_ =	shalt  }
0x4d: {  	_ =	shalt  }
0x4e: {  	_ =	shalt  }
0x4f: {  	_ =	shalt  }
0x50: {  	_ =	shalt  }
0x51: {  	_ =	shalt  }
0x52: {  	_ =	shalt  }
0x53: {  	_ =	shalt  }
0x54: {  	_ =	shalt  }
0x55: {  	_ =	shalt  }
0x56: {  	_ =	shalt  }
0x57: {  	_ =	shalt  }
0x58: {  	_ =	shalt  }
0x59: {  	_ =	shalt  }
0x5a: {  	_ =	shalt  }
0x5b: {  	_ =	shalt  }
0x5c: {  	_ =	shalt  }
0x5d: {  	_ =	shalt  }
0x5e: {  	_ =	shalt  }
0x5f: {  	_ =	shalt  }
0x60: {  	_ =	shalt  }
0x61: {  	_ =	shalt  }
0x62: {  	_ =	shalt  }
0x63: {  	_ =	shalt  }
0x64: {  	_ =	shalt  }
0x65: {  	_ =	shalt  }
0x66: {  	_ =	shalt  }
0x67: {  	_ =	shalt  }
0x68: {  	_ =	shalt  }
0x69: {  	_ =	shalt  }
0x6a: {  	_ =	shalt  }
0x6b: {  	_ =	shalt  }
0x6c: {  	_ =	shalt  }
0x6d: {  	_ =	shalt  }
0x6e: {  	_ =	shalt  }
0x6f: {  	_ =	shalt  }
0x70: {  	_ =	shalt  }
0x71: {  	_ =	shalt  }
0x72: {  	_ =	shalt  }
0x73: {  	_ =	shalt  }
0x74: {  	_ =	shalt  }
0x75: {  	_ =	shalt  }
0x76: {  	_ =	shalt  }
0x77: {  	_ =	shalt  }
0x78: {  	_ =	shalt  }
0x79: {  	_ =	shalt  }
0x7a: {  	_ =	shalt  }
0x7b: {  	_ =	shalt  }
0x7c: {  	_ =	shalt  }
0x7d: {  	_ =	shalt  }
0x7e: {  	_ =	shalt  }
0x7f: {  	_ =	shalt  }
0x80: {  	_ =	shalt  }
0x81: {  	_ =	shalt  }
0x82: {  	_ =	shalt  }
0x83: {  	_ =	shalt  }
0x84: {  	_ =	shalt  }
0x85: {  	_ =	shalt  }
0x86: {  	_ =	shalt  }
0x87: {  	_ =	shalt  }
.Lfunc_end0:
.L_simem_size_0:
called_computation.1_lowered:
.L_overlay_start_0:
0x88: {  	s2 =	sld [smem:$0x3FD9]  }
0x89: {  	s3 =	sld [smem:$0x3FFE];
	_ =	sdelay $0x1  }
0x8a: {  	s1 =	srdreg.scid  }
0x8b: {  	s0 =	sand.u32 $0x1, s1  }
0x8c: {  	s17 =	sshll.u32 s0, $0xA;
	s2 =	sadd.s32 s3, s2  }
0x8d: {  	s2 =	sadd.s32 s2, s17  }
0x8e: {  	[smem:$0x3FC4] =	sst s2  }
0x8f: {  	_ = 	snop  }
0x90: {  	s2 =	sld [smem:$0x3FD0];
	(tm) =	ssettm $0x1  }
0x91: {  	s18 =	sld [smem:$0x3FFB];
	_ =	sdelay $0x3  }
0x92: {  	_ =	strace s18  }
0x93: {  	s3 =	sld [smem:$0x3FFC];
	_ =	sdelay $0x3  }
0x94: {  	_ =	strace s3  }
0x95: {  	s3 =	sld [smem:$0x3FFD];
	_ =	sdelay $0x3  }
0x96: {  	_ =	strace s3  }
0x97: {  	_ =	strace $0x8FFFFFFF  }
0x98: {  	s19 =	sld [smem:$0x3FDB];
	_ =	sdelay $0x1  }
0x99: {  	s4 =	simm.s32 $_scs_section_size  }
0x9a: {  	s5 =	simm.s32 $_size__tile_overlayer_lowered;
	s6 =	simm.s32 $_tile_overlayer_lowered  }
0x9b: {  	s22 =	simm.s32 $0x1BFF;
	s21 =	sshll.u32 s6, $0x1;
	s3 =	sadd.s32 s4, s19  }
0x9c: {  	s7 =	simm.s32 $0x0;
	s20 =	sshll.u32 s5, $0x1;
	s5 =	sadd.s32 s21, s3  }
0x9d: {  	[timem:s7], [sflag:s22] =	dma.local [hbm:s5], s20  }
0x9e: {  	_ =	swait.ge [sflag:s22], s20  }
0x9f: {  	s4 =	ssub.s32 $0x0, s20;
	[sflag:s22] =	ssyncset.done $0x0  }
0xa0: {  	[sflag:s22] =	ssyncadd.s32 s4;
	_ =	sdelay $0x1  }
0xa1: {  	s23 =	simm.s32 $0x1B8B  }
0xa2: {  	_ =	swait.ge [sflag:s23], $0x1  }
0xa3: {  	[sflag:s23] =	ssyncset.done $0x0  }
0xa4: {  	s25 =	simm.s32 $0x1B8E;
	s24 =	sld [smem:$0x3FFE];
	[sflag:s23] =	ssyncadd.s32 $0xFFFFFFFF  }
0xa5: {  	s26 =	simm.s32 $execute0_lowered;
	[smem:$0x3FD2] =	sst s25  }
0xa6: {  	s5 =	sshll.u32 s26, $0x1;
	_ =	strace $0x80000049;
	[dreg:$0x1] =	wrdreg $0xFFFFFFFF  }
0xa7: {  	s28 =	simm.s32 $_size_execute0_lowered;
	s3 =	sadd.s32 s3, s5;
	[dreg:$0x0] =	wrdreg $0x0  }
0xa8: {  	s5 =	sshll.u32 s28, $0x1;
	[dreg:$0x2] =	wrdreg s3  }
0xa9: {  	[dreg:$0x3] =	wrdreg s5  }
0xaa: {  	[dreg:$0x4] =	wrdreg $0xC0  }
0xab: {  	_ =	task [dreg:s7], $0x5FFFF  }
0xac: {  	[dreg:$0x1] =	wrdreg $0xFFFFFFFF  }
0xad: {  	[dreg:$0x0] =	wrdreg $0x60  }
0xae: {  	[dreg:$0x2] =	wrdreg s24  }
0xaf: {  	[dreg:$0x3] =	wrdreg s2  }
0xb0: {  	[dreg:$0x4] =	wrdreg $0xBF800  }
0xb1: {  	[dreg:$0x5] =	wrdreg $0x9  }
0xb2: {  	_ =	task.clear_ibuf [dreg:s7], $0x6FFFF;
	_ =	strace $0x90000049  }
0xb3: {  	s29 =	simm.s32 $0x9;
	_ =	strace $0x8000004B  }
0xb4: {  	_ =	swait.ge [sflag:s29], $0x1  }
0xb5: {  	[sflag:s29] =	ssyncadd.s32 $0xFFFFFFFF  }
0xb6: {  	_ =	strace $0x9000004B  }
0xb7: {  	_ =	sfence  }
0xb8: {  	s30 =	sld [smem:$0x0];
	_ =	sdelay $0x2  }
0xb9: {  	s31 =	sshll.u32 s1, $0xD;
	s1 =	sshrl.u32 s1, $0x2  }
0xba: {  	s3 =	sand.u32 $0x4000, s31;
	s1 =	sadd.s32 s1, s30  }
0xbb: {  	s0 =	sor.u32 s3, s0;
	s1 =	sshll.u32 s1, $0x11  }
0xbc: {  	s0 =	sor.u32 s1, s0  }
0xbd: {  	s0 =	sadd.s32 $0x8F2B, s0  }
0xbe: {  	[sflag:s0] =	ssyncadd.remote.s32 $0x1  }
0xbf: {  	_ =	sfence.sel $0xFFFF  }
0xc0: {  	[dreg:$0x0] =	wrdreg $0xFFFFFFFF;
	(pc) =	sbr.abs _section_cstart, $3  }
0xc1: {  	[dreg:$0x1] =	wrdreg $0xFFFFFFFF  }
0xc2: {  	_ =	task.clear_ibuf [dreg:s7], $0x2FFFF;
	_ =	strace $0x9FFFFFFF  }
0xc3: {  	(tm) =	ssettm $0x7FFFFFFF  }
tec
execute0_lowered:
.L_overlay_start_1:
0x0: {  	(tag) =	ssettag $0x1  }
0x1: {  	s0 =	srdreg.scid;
	s1 =	rddreg [dreg:$0x0]  }
0x2: {  	s8 =	stileid.u32;
	s2 =	rddreg [dreg:$0x1]  }
0x3: {  	s6 =	simm.s32 $0x0;
	s18 =	simm.s32 $0x6F80;
	s19 =	simm.s32 $0x4  }
0x4: {  	s20 =	simm.s32 $0x2780;
	s21 =	simm.s32 $0x3;
	s22 =	simm.s32 $0x1  }
0x5: {  	s23 =	simm.s32 $0x50;
	s28 =	simm.s32 $0x0;
	s29 =	simm.s32 $0x0  }
0x6: {  	s0 =	sand.u32 $0x1, s0;
	[smem:$0x7FF] =	sst s6;
	s7 =	smul.u32 $0x13C00, s8  }
0x7: {  	s6 =	sadd.s32 $0x1800, s1;
	s3 =	sshll.u32 s0, $0x4;
	s5 =	smul.u32 $0x13C000, s0  }
0x8: {  	s0 =	ssub.s32 $0x2, s0;
	s4 =	sor.u32 s8, s3;
	s3 =	rddreg [dreg:$0x2]  }
0x9: {  	_ =	strace $0x8000004A;
	s8 =	smul.u32 $0x4F000, s8;
	s26 =	sshrl.u32 s0, $0x1  }
0xa: {  	s4 =	smul.u32 $0x2710, s4;
	s5 =	sadd.s32 s7, s5;
	s0 =	ssub.s32 s0, s26  }
0xb: {  	s5 =	sshrl.u32 s5, $0x3;
	s25 =	sshrl.u32 s8, $0x2;
	s11 =	smax.u32 s0, $0x1  }
0xc: {  	s24 =	sshrl.u32 s4, $0x3;
	s7 =	sadd.s32 s25, s3;
	s25 =	simm.s32 $0x2  }
0xd: {  	s9 =	sadd.s32 s24, s1;
	s1 =	sadd.s32 s5, s1;
	s31 =	sadd.s32 $0x11800, s7  }
0xe: {  	s12 =	sadd.s32 $0x2800, s7;
	s13 =	sadd.s32 $0x5000, s7;
	s14 =	sadd.s32 $0x7800, s7  }
0xf: {  	s15 =	sadd.s32 $0xA000, s7;
	s30 =	sadd.s32 $0xB600, s9;
	[dreg:$0x5] =	wrdreg s31  }
0x10: {  	s16 =	sadd.s32 $0xC800, s7;
	s1 =	sadd.s32 $0x1F200, s1;
	[dreg:$0x4] =	wrdreg s30  }
0x11: {  	v0 =	vimm.f32 $0.0e+00;
	s17 =	sadd.s32 $0xF000, s7;
	s24 =	simm.s32 $0x9780;
	[dreg:$0x6] =	wrdreg s1  }
.LBB2_1:
0x12: {  	s1 =	simm.s32 $0x0  }
0x13: {  	s0 =	sand.u32 $0xFE00, s1  }
0x14: {  	s1 =	sand.u32 $0x70, s1;
	s5 =	sshrl.u32 s0, $0x2  }
0x15: {  	s0 =	simm.s32 $0x40;
	s5 =	sor.u32 s1, s5;
	s1 =	simm.s32 $0x0  }
.LBB2_2:
0x16: {  	p0 =	sne.s32 s0, $0x9FC0  }
0x17: {  	[tilespmem:s5+$0x6F80] =	vst v0;
	s1 =	sadd.s32 $0x10, s1;
	s5 =	smov.u32 s0;
	s0 =	sadd.s32 $0x40, s0  }
.Ltmp0:
0x18: {  	(pc) =	sbr.rel @p0 .LBB2_2-.Ltmp0, $4  }
0x19: {  	_ = 	snop  }
0x1a: {  	s5 =	sand.u32 $0xFE00, s5  }
0x1b: {  	s8 =	sand.u32 $0x70, s1;
	s5 =	sshrl.u32 s5, $0x2  }
0x1c: {  	s5 =	sor.u32 s8, s5  }
0x1d: {  	[tilespmem:s5+$0x6F80] =	vst v0  }
0x1e: {  	[spmem:s7] =	stream.linear.scatter [tilespmem:s18], [sflag:$0x3], $0x2800, $0x38;
	[tilespmem:$0x1FB80] =	vst v63  }
0x1f: {  	_ = 	snop  }
0x20: {  	[spmem:s12] =	stream.linear.scatter [tilespmem:s18], [sflag:$0x3], $0x2800, $0x38;
	[tilespmem:$0x1FB80] =	vst v63  }
0x21: {  	_ = 	snop  }
0x22: {  	[spmem:s13] =	stream.linear.scatter [tilespmem:s18], [sflag:$0x3], $0x2800, $0x38;
	[tilespmem:$0x1FB80] =	vst v63  }
0x23: {  	_ = 	snop  }
0x24: {  	[spmem:s14] =	stream.linear.scatter [tilespmem:s18], [sflag:$0x3], $0x2800, $0x38;
	[tilespmem:$0x1FB80] =	vst v63  }
0x25: {  	_ = 	snop  }
0x26: {  	[spmem:s15] =	stream.linear.scatter [tilespmem:s18], [sflag:$0x3], $0x2800, $0x38;
	[tilespmem:$0x1FB80] =	vst v63  }
0x27: {  	_ = 	snop  }
0x28: {  	[spmem:s16] =	stream.linear.scatter [tilespmem:s18], [sflag:$0x3], $0x2800, $0x38;
	[tilespmem:$0x1FB80] =	vst v63  }
0x29: {  	_ = 	snop  }
0x2a: {  	[spmem:s17] =	stream.linear.scatter [tilespmem:s18], [sflag:$0x3], $0x2800, $0x38;
	[tilespmem:$0x1FB80] =	vst v63  }
0x2b: {  	s0 =	rddreg [dreg:$0x4]  }
0x2c: {  	[tilespmem:s29], [sflag:$0x4] =	stream.linear.gather [hbm4b:s0+s29], $0x2710, $0x38;
	[tilespmem:$0x1FB80] =	vst v63  }
0x2d: {  	_ =	swait.ge [sflag:s19], $0x2710  }
0x2e: {  	s26 =	simm.s32 $0x2F80;
	s31 =	simm.s32 $0x0;
	[sflag:s19] =	ssyncset.done $0x0  }
0x2f: {  	s5 =	simm.s32 $0x0;
	s0 =	simm.s32 $0x0;
	[sflag:s19] =	ssyncadd.s32 $0xFFFFD8F0  }
.LBB2_4:
0x30: {  	s1 =	smul.u32 $0x7D0, s0;
	_ =	sdelay $0x1  }
0x31: {  	s1 =	sadd.s32 s4, s1  }
0x32: {  	s1 =	sshrl.u32 s1, $0x3  }
0x33: {  	v1 =	vmov s31;
	s1 =	sadd.s32 s6, s1  }
0x34: {  	[tilespmem:s20], [sflag:$0x4] =	stream.linear.gather [hbm4b:s1+s29], $0x7D0, $0x38;
	[tilespmem:$0x1FB80] =	vst v63  }
0x35: {  	_ =	swait.ge [sflag:s19], $0x7D0  }
0x36: {  	[sflag:s19] =	ssyncset.done $0x0  }
0x37: {  	s9 =	simm.s32 $0x0;
	[sflag:s19] =	ssyncadd.s32 $0xFFFFF830  }
0x38: {  	v2 =	vld.idx.msk [tilespmem:v1+s9+$0x0 ss:$0x1], $0xffff  }
0x39: {  	s8 =	smulhi.u32 $0xCCCCCCCD, s5;
	v3 =	vld [tilespmem:s9+$0x2780];
	_ =	sdelay $0x1  }
0x3a: {  	s10 =	sshrl.u32 s8, $0x6  }
0x3b: {  	s1 =	smul.u32 $0xC0, s10;
	_ =	sdelay $0x1  }
0x3c: {  	s1 =	sshra.s32 s1, $0x2;
	vm0 =	veq.s32 v2, v3  }
0x3d: {  	s30 =	smov.u32 s26;
	s1 =	sadd.s32 s1, s26;
	v2 =	vsel vm0, $0x2710, v3  }
0x3e: {  	s8 =	simm.s32 $0x80;
	s9 =	simm.s32 $0x10;
	[tilespmem:s1+$0x0] =	vst v2;
	s1 =	smov.u32 s5  }
.LBB2_5:
0x3f: {  	s1 =	sadd.s32 $0x10, s1  }
0x40: {  	p0 =	sne.s32 s8, $0x1F00;
	v2 =	vld.idx.msk [tilespmem:v1+s9+$0x0 ss:$0x1], $0xffff;
	s10 =	smulhi.u32 $0xCCCCCCCD, s1  }
0x41: {  	v3 =	vld [tilespmem:s9+$0x2780]  }
0x42: {  	s9 =	sshrl.u32 s10, $0x6  }
0x43: {  	s9 =	smul.u32 $0xC0, s9  }
.Ltmp1:
0x44: {  	(pc) =	sbr.rel @p0 .LBB2_5-.Ltmp1, $4  }
0x45: {  	_ = 	snop  }
0x46: {  	s30 =	sadd.s32 $0x10, s30;
	s9 =	sshra.s32 s9, $0x2;
	vm0 =	veq.s32 v2, v3  }
0x47: {  	s10 =	sadd.s32 s9, s30;
	v2 =	vsel vm0, $0x2710, v3  }
0x48: {  	s9 =	sshra.s32 s8, $0x2;
	s8 =	sadd.s32 $0x40, s8;
	[tilespmem:s10+$0x0] =	vst v2  }
0x49: {  	_ =	sdelay $0x2  }
0x4a: {  	s1 =	sadd.s32 $0x10, s1  }
0x4b: {  	v1 =	vld.idx.msk [tilespmem:v1+s9+$0x0 ss:$0x1], $0xffff;
	s1 =	smulhi.u32 $0xCCCCCCCD, s1  }
0x4c: {  	v2 =	vld [tilespmem:s9+$0x2780]  }
0x4d: {  	s0 =	sadd.s32 $0x1, s0;
	s1 =	sshrl.u32 s1, $0x6  }
0x4e: {  	p0 =	sne.s32 s0, $0x5;
	s1 =	smul.u32 $0xC0, s1  }
.Ltmp2:
0x4f: {  	_ = 	snop;
	(pc) =	sbr.rel @p0 .LBB2_4-.Ltmp2, $4  }
0x50: {  	_ = 	snop  }
0x51: {  	s8 =	sadd.s32 $0x10, s30;
	vm0 =	veq.s32 v1, v2;
	s1 =	sshra.s32 s1, $0x2  }
0x52: {  	v1 =	vsel vm0, $0x2710, v2;
	s1 =	sadd.s32 s1, s8  }
0x53: {  	s26 =	sadd.s32 $0x7D0, s26;
	s5 =	sadd.s32 $0x7D0, s5;
	s31 =	sadd.s32 $0x7D0, s31;
	[tilespmem:s1+$0x0] =	vst v1  }
0x54: {  	_ =	swait.ge [sflag:s21], $0x2800  }
0x55: {  	[sflag:s21] =	ssyncset.done $0x0  }
0x56: {  	[sflag:s21] =	ssyncadd.s32 $0xFFFFD800  }
0x57: {  	_ =	swait.ge [sflag:s21], $0x2800  }
0x58: {  	[sflag:s21] =	ssyncset.done $0x0  }
0x59: {  	[sflag:s21] =	ssyncadd.s32 $0xFFFFD800  }
0x5a: {  	_ =	swait.ge [sflag:s21], $0x2800  }
0x5b: {  	[sflag:s21] =	ssyncset.done $0x0  }
0x5c: {  	[sflag:s21] =	ssyncadd.s32 $0xFFFFD800  }
0x5d: {  	_ =	swait.ge [sflag:s21], $0x2800  }
0x5e: {  	[sflag:s21] =	ssyncset.done $0x0  }
0x5f: {  	[sflag:s21] =	ssyncadd.s32 $0xFFFFD800  }
0x60: {  	_ =	swait.ge [sflag:s21], $0x2800  }
0x61: {  	[sflag:s21] =	ssyncset.done $0x0  }
0x62: {  	[sflag:s21] =	ssyncadd.s32 $0xFFFFD800  }
0x63: {  	_ =	swait.ge [sflag:s21], $0x2800  }
0x64: {  	[sflag:s21] =	ssyncset.done $0x0  }
0x65: {  	[sflag:s21] =	ssyncadd.s32 $0xFFFFD800  }
0x66: {  	_ =	swait.ge [sflag:s21], $0x2800  }
0x67: {  	[sflag:s21] =	ssyncset.done $0x0  }
0x68: {  	s0 =	rddreg [dreg:$0x5];
	[sflag:s21] =	ssyncadd.s32 $0xFFFFD800  }
0x69: {  	[spmem:s0] =	stream.linear.scatter [tilespmem:s18], [sflag:$0x4], $0x2400, $0x38;
	[tilespmem:$0x1FB80] =	vst v63  }
0x6a: {  	_ =	swait.ge [sflag:s19], $0x2400  }
0x6b: {  	[sflag:s19] =	ssyncset.done $0x0  }
0x6c: {  	[sflag:s19] =	ssyncadd.s32 $0xFFFFDC00  }
0x6d: {  	s1 =	simm.s32 $0x0;
	s0 =	simm.s32 $0x50;
	[bflag:$0x0] =	sbarrier.arrive $0xFFFF  }
0x6e: {  	[tilespmem:s18], [sflag:$0x1] =	stream.indirect.gather [hbm4b:s2+s0], $0x80, s1, s0, $0xb8;
	[tilespmem:$0x1FB80] =	vst v63  }
0x6f: {  	_ =	swait.ge [sflag:s22], $0x2800  }
0x70: {  	[sflag:s22] =	ssyncset.done $0x0  }
0x71: {  	[sflag:s22] =	ssyncadd.s32 $0xFFFFD800  }
0x72: {  	[tilespmem:s24], [sflag:$0x2] =	stream.indirect.gather [hbm4b:s2+s23], $0x80, s0, s23, $0xb8;
	[tilespmem:$0x1FB80] =	vst v63  }
0x73: {  	s26 =	simm.s32 $0x2F80  }
0x74: {  	[spmem:s3] =	stream.indirect.scatter.add.f32 [tilespmem:s18], [sflag:$0x4], $0x80, s26, s23, $0xb8;
	[tilespmem:$0x1FB80] =	vst v63  }
0x75: {  	_ =	swait.ge [sflag:s19], $0x2800  }
0x76: {  	[sflag:s19] =	ssyncset.done $0x0  }
0x77: {  	[sflag:s19] =	ssyncadd.s32 $0xFFFFD800  }
0x78: {  	_ =	swait.ge [sflag:s25], $0x2800  }
0x79: {  	[sflag:s25] =	ssyncset.done $0x0  }
0x7a: {  	s30 =	simm.s32 $0xA0;
	[sflag:s25] =	ssyncadd.s32 $0xFFFFD800  }
0x7b: {  	[tilespmem:s18], [sflag:$0x1] =	stream.indirect.gather [hbm4b:s2+s23], $0x80, s30, s23, $0xb8;
	[tilespmem:$0x1FB80] =	vst v63  }
0x7c: {  	s31 =	simm.s32 $0x3000  }
0x7d: {  	[spmem:s3] =	stream.indirect.scatter.add.f32 [tilespmem:s24], [sflag:$0x4], $0x80, s31, s23, $0xb8;
	[tilespmem:$0x1FB80] =	vst v63  }
0x7e: {  	_ =	swait.ge [sflag:s19], $0x2800  }
0x7f: {  	s1 =	simm.s32 $0x400;
	[sflag:s19] =	ssyncset.done $0x0  }
.LBB2_8:
0x80: {  	p0 =	sne.s32 s1, $0xF400;
	[sflag:s19] =	ssyncadd.s32 $0xFFFFD800;
	s0 =	sadd.s32 $0xA0, s0  }
0x81: {  	s5 =	smov.u32 s1;
	s1 =	sadd.s32 $0x400, s1  }
0x82: {  	_ =	swait.ge [sflag:s22], $0x2800  }
0x83: {  	[sflag:s22] =	ssyncset.done $0x0  }
0x84: {  	s5 =	sshra.s32 s5, $0x2;
	[sflag:s22] =	ssyncadd.s32 $0xFFFFD800  }
0x85: {  	[tilespmem:s24], [sflag:$0x2] =	stream.indirect.gather [hbm4b:s2+s23], $0x80, s0, s23, $0xb8;
	[tilespmem:$0x1FB80] =	vst v63  }
0x86: {  	s8 =	sadd.s32 $0x2F80, s5  }
0x87: {  	[spmem:s3] =	stream.indirect.scatter.add.f32 [tilespmem:s18], [sflag:$0x4], $0x80, s8, s23, $0xb8;
	[tilespmem:$0x1FB80] =	vst v63  }
0x88: {  	_ =	swait.ge [sflag:s19], $0x2800  }
0x89: {  	[sflag:s19] =	ssyncset.done $0x0  }
0x8a: {  	[sflag:s19] =	ssyncadd.s32 $0xFFFFD800  }
0x8b: {  	_ =	swait.ge [sflag:s25], $0x2800  }
0x8c: {  	[sflag:s25] =	ssyncset.done $0x0  }
0x8d: {  	s8 =	sadd.s32 $0x50, s0;
	[sflag:s25] =	ssyncadd.s32 $0xFFFFD800  }
0x8e: {  	[tilespmem:s18], [sflag:$0x1] =	stream.indirect.gather [hbm4b:s2+s23], $0x80, s8, s23, $0xb8;
	[tilespmem:$0x1FB80] =	vst v63  }
.Ltmp3:
0x8f: {  	_ = 	snop;
	(pc) =	sbr.rel @p0 .LBB2_8-.Ltmp3, $4  }
0x90: {  	s5 =	sadd.s32 $0x3000, s5  }
0x91: {  	[spmem:s3] =	stream.indirect.scatter.add.f32 [tilespmem:s24], [sflag:$0x4], $0x80, s5, s23, $0xb8;
	[tilespmem:$0x1FB80] =	vst v63  }
0x92: {  	_ =	swait.ge [sflag:s19], $0x2800  }
0x93: {  	[sflag:s19] =	ssyncset.done $0x0  }
0x94: {  	[sflag:s19] =	ssyncadd.s32 $0xFFFFD800  }
0x95: {  	_ =	swait.ge [sflag:s22], $0x2800  }
0x96: {  	[sflag:s22] =	ssyncset.done $0x0  }
0x97: {  	s0 =	simm.s32 $0x6D80;
	[sflag:s22] =	ssyncadd.s32 $0xFFFFD800  }
0x98: {  	[spmem:s3] =	stream.indirect.scatter.add.f32 [tilespmem:s18], [sflag:$0x4], $0x80, s0, s23, $0xb8;
	[tilespmem:$0x1FB80] =	vst v63  }
0x99: {  	_ =	swait.ge [sflag:s19], $0x2800  }
0x9a: {  	s31 =	stileid.u32;
	[sflag:s19] =	ssyncset.done $0x0  }
0x9b: {  	s1 =	sshrl.u32 s7, $0x3;
	s28 =	sadd.s32 $0x1, s28;
	[sflag:s19] =	ssyncadd.s32 $0xFFFFD800  }
0x9c: {  	p0 =	sne.s32 s28, s11;
	s0 =	sshll.u32 s31, $0x6;
	[bflag:$0x0] =	sbarrier.arrive $0xFFFF  }
.Ltmp4:
0x9d: {  	s0 =	sor.u32 $0x1C04, s0;
	s5 =	rddreg [dreg:$0x6];
	(pc) =	sbr.rel @p0 .LBB2_1-.Ltmp4, $4  }
0x9e: {  	[hbm:s5], [sflag:s0] =	dma.local [spmem:s1], $0x2780  }
0x9f: {  	_ =	swait.ge [sflag:s19], $0x2780  }
0xa0: {  	[sflag:s19] =	ssyncset.done $0x0  }
0xa1: {  	[sflag:s19] =	ssyncadd.s32 $0xFFFFD880  }
0xa2: {  	_ =	sfence.sel $0x180000  }
0xa3: {  	[bflag:$0x0] =	sbarrier.arrive $0xFFFF  }
0xa4: {  	_ =	strace $0x9000004A  }
0xa5: {  	s0 =	stileid.u32;
	[bflag:$0x2] =	sbarrier.arrive $0xFFFF  }
0xa6: {  	p0 =	sne.s32 s0, $0x0;
	s0 =	rddreg [dreg:$0x3]  }
0xa7: {  	s0 =	sadd.s32 @!p0 $0x100000, s0  }
0xa8: {  	[sflag:s0] =	ssyncadd.tile.s32 @!p0 $0x1;
	_ =	shalt  }
.Lfunc_end2:
_tile_overlayer_lowered:
.L_overlay_start_2:
0xa9: {  	(tag) =	ssettag $0x2  }
0xaa: {  	s0 =	rddreg [dreg:$0x0];
	s2 =	stileid.u32  }
0xab: {  	s1 =	rddreg [dreg:$0x1];
	p0 =	sne.s32 s2, $0x0  }
0xac: {  	s3 =	rddreg [dreg:$0x2];
	[bflag:$0x3] =	sbarrier.arrive $0xFFFF;
	s2 =	simm.s32 @!p0 $0x1C04  }
0xad: {  	[timem:s3], [sflag:s2] =	dma.local @!p0 [hbm:s0], s1  }
0xae: {  	s0 =	simm.s32 @!p0 $0x4  }
0xaf: {  	_ =	swait.ge @!p0 [sflag:s0], s1  }
0xb0: {  	s1 =	ssub.s32 @!p0 $0x0, s1;
	[sflag:s0] =	ssyncset.done @!p0 $0x0  }
0xb1: {  	[sflag:s0] =	ssyncadd.s32 @!p0 s1  }
0xb2: {  	[bflag:$0x3] =	sbarrier.arrive $0xFFFF  }
0xb3: {  	_ =	shalt  }

// kernel: kernel.7.cloned.1.call-start
scs
__scs_entry_jumppad:
0x0: {  	(pc) =	sbr.rel $0x88, $3  }
0x1: {  	(tag) =	ssettag $0x0;
	lr =	simm.s32 $0x1  }
0x2: {  	[smem:$0x3F9D] =	sst lr;
	_ =	strace $0xD0000000  }
0x3: {  	_ = 	snop  }
0x4: {  	_ = 	snop  }
0x5: {  	_ = 	snop  }
0x6: {  	_ = 	snop  }
0x7: {  	_ = 	snop  }
__scs_overlays_trampoline_lowered:
0x8: {  	[smem:$0x3FAC] =	sst s0  }
0x9: {  	[smem:$0x3FAD] =	sst s1  }
0xa: {  	[smem:$0x3FAE] =	sst s2  }
0xb: {  	[smem:$0x3FAF] =	sst s3  }
0xc: {  	[smem:$0x3FB0] =	sst s4  }
0xd: {  	[smem:$0x3FB1] =	sst s5  }
0xe: {  	[smem:$0x3FB2] =	sst s6  }
0xf: {  	[smem:$0x3FB3] =	sst s7  }
0x10: {  	[smem:$0x3FB4] =	sst s8  }
0x11: {  	[smem:$0x3FB5] =	sst s9;
	s0 =	simm.s32 @!p0 $0x0  }
0x12: {  	s1 =	sld [smem:$0x3F9B];
	s0 =	simm.s32 @p0 $0x1  }
0x13: {  	[smem:$0x3FB6] =	sst s0;
	s0 =	simm.s32 @!p1 $0x0  }
0x14: {  	s2 =	sld [smem:$0x3F9A];
	s0 =	simm.s32 @p1 $0x1  }
0x15: {  	[smem:$0x3FB7] =	sst s0;
	s0 =	simm.s32 @!p2 $0x0  }
0x16: {  	s3 =	sld [smem:$0x3FDB];
	s0 =	simm.s32 @p2 $0x1  }
0x17: {  	s4 =	simm.s32 $0x1BF5;
	[smem:$0x3FB9] =	sst s0  }
0x18: {  	s0 =	sld [smem:$0x3F9C];
	_ =	swait.ge [sflag:s4], $0x0  }
0x19: {  	s7 =	sld [smem:$0x3F9D]  }
0x1a: {  	s8 =	sadd.s32 $0xFFFFE003, lr  }
0x1b: {  	s9 =	sadd.s32 $0xFFFFFEF7, lr;
	s5 =	simm.s32 $0xFFFFFFFF;
	p2 =	slt.u32 s8, $0xFFFFF086  }
0x1c: {  	p1 =	slt.u32 s9, $0xF7A;
	s5 =	simm.s32 @!p2 $0x0  }
0x1d: {  	s5 =	simm.s32 @p1 $0x1;
	p0 =	seq.s32 s7, s2  }
0x1e: {  	s7 =	smul.u32 @!p0 $0xF7A, s2;
	p2 =	seq.s32 @!p0 s5, $0x0  }
0x1f: {  	s9 =	smul.u32 $0xF7A, s1;
	s8 =	simm.s32 @!p0 $0x1BF5;
	p2 =	por !p2, p0  }
0x20: {  	[sflag:s8] =	ssyncset.s32 @!p0 $0xFFFFF086;
	s6 =	sadd.s32 @!p0 s3, s7;
	s7 =	simm.s32 @!p0 $0x108  }
0x21: {  	s3 =	sadd.s32 s3, s9;
	s6 =	sadd.s32 @!p0 $0x88, s6;
	s7 =	simm.s32 @p2 $0x1082  }
0x22: {  	[simem:s7], [sflag:s8] =	dma.local @!p0 [hbm:s6], $0xF7A  }
0x23: {  	s9 =	sor.u32 $0xD0000000, s2;
	s6 =	simm.s32 $0x108;
	_ =	swait.ge @!p0 [sflag:s8], $0x0  }
0x24: {  	s3 =	sadd.s32 $0x88, s3;
	s6 =	simm.s32 @!p1 $0x1082;
	[sflag:s4] =	ssyncset.s32 $0xFFFFF086  }
0x25: {  	[simem:s6], [sflag:s4] =	dma.local [hbm:s3], $0xF7A  }
0x26: {  	[smem:$0x3F9D] =	sst s1;
	(tag) =	ssettag s2;
	_ =	strace s9  }
0x27: {  	s1 =	sld [smem:$0x3FAD]  }
0x28: {  	s2 =	sld [smem:$0x3FAE]  }
0x29: {  	s4 =	sld [smem:$0x3FB0]  }
0x2a: {  	p0 =	seq.s32 s5, $0x0;
	s5 =	sld [smem:$0x3FB1]  }
0x2b: {  	s6 =	sld [smem:$0x3FB2]  }
0x2c: {  	s7 =	sld [smem:$0x3FB3]  }
0x2d: {  	s3 =	simm.s32 $0x108;
	s8 =	sld [smem:$0x3FB4]  }
0x2e: {  	s3 =	simm.s32 @!p0 $0x1082;
	s9 =	sld [smem:$0x3FB5]  }
0x2f: {  	lr =	sadd.s32 s0, s3;
	s0 =	sld [smem:$0x3FAC]  }
0x30: {  	s3 =	sld [smem:$0x3FAF]  }
0x31: {  	[smem:$0x3FB8] =	sst s10  }
0x32: {  	s10 =	sld [smem:$0x3FB6];
	_ =	sdelay $0x3  }
0x33: {  	p0 =	seq.s32 s10, $0x1;
	s10 =	sld [smem:$0x3FB8];
	_ =	sdelay $0x3  }
0x34: {  	[smem:$0x3FB8] =	sst s10  }
0x35: {  	s10 =	sld [smem:$0x3FB7];
	_ =	sdelay $0x3  }
0x36: {  	p1 =	seq.s32 s10, $0x1;
	s10 =	sld [smem:$0x3FB8];
	_ =	sdelay $0x3  }
0x37: {  	[smem:$0x3FB8] =	sst s10  }
0x38: {  	s10 =	sld [smem:$0x3FB9]  }
0x39: {  	_ = 	snop;
	(pc) =	sbr.ind lr, $3  }
0x3a: {  	_ = 	snop  }
0x3b: {  	_ = 	snop  }
0x3c: {  	p2 =	seq.s32 s10, $0x1;
	s10 =	sld [smem:$0x3FB8]  }
0x3d: {  	_ =	shalt  }
0x3e: {  	_ =	shalt  }
0x3f: {  	_ =	shalt  }
0x40: {  	_ =	shalt  }
0x41: {  	_ =	shalt  }
0x42: {  	_ =	shalt  }
0x43: {  	_ =	shalt  }
0x44: {  	_ =	shalt  }
0x45: {  	_ =	shalt  }
0x46: {  	_ =	shalt  }
0x47: {  	_ =	shalt  }
0x48: {  	_ =	shalt  }
0x49: {  	_ =	shalt  }
0x4a: {  	_ =	shalt  }
0x4b: {  	_ =	shalt  }
0x4c: {  	_ =	shalt  }
0x4d: {  	_ =	shalt  }
0x4e: {  	_ =	shalt  }
0x4f: {  	_ =	shalt  }
0x50: {  	_ =	shalt  }
0x51: {  	_ =	shalt  }
0x52: {  	_ =	shalt  }
0x53: {  	_ =	shalt  }
0x54: {  	_ =	shalt  }
0x55: {  	_ =	shalt  }
0x56: {  	_ =	shalt  }
0x57: {  	_ =	shalt  }
0x58: {  	_ =	shalt  }
0x59: {  	_ =	shalt  }
0x5a: {  	_ =	shalt  }
0x5b: {  	_ =	shalt  }
0x5c: {  	_ =	shalt  }
0x5d: {  	_ =	shalt  }
0x5e: {  	_ =	shalt  }
0x5f: {  	_ =	shalt  }
0x60: {  	_ =	shalt  }
0x61: {  	_ =	shalt  }
0x62: {  	_ =	shalt  }
0x63: {  	_ =	shalt  }
0x64: {  	_ =	shalt  }
0x65: {  	_ =	shalt  }
0x66: {  	_ =	shalt  }
0x67: {  	_ =	shalt  }
0x68: {  	_ =	shalt  }
0x69: {  	_ =	shalt  }
0x6a: {  	_ =	shalt  }
0x6b: {  	_ =	shalt  }
0x6c: {  	_ =	shalt  }
0x6d: {  	_ =	shalt  }
0x6e: {  	_ =	shalt  }
0x6f: {  	_ =	shalt  }
0x70: {  	_ =	shalt  }
0x71: {  	_ =	shalt  }
0x72: {  	_ =	shalt  }
0x73: {  	_ =	shalt  }
0x74: {  	_ =	shalt  }
0x75: {  	_ =	shalt  }
0x76: {  	_ =	shalt  }
0x77: {  	_ =	shalt  }
0x78: {  	_ =	shalt  }
0x79: {  	_ =	shalt  }
0x7a: {  	_ =	shalt  }
0x7b: {  	_ =	shalt  }
0x7c: {  	_ =	shalt  }
0x7d: {  	_ =	shalt  }
0x7e: {  	_ =	shalt  }
0x7f: {  	_ =	shalt  }
0x80: {  	_ =	shalt  }
0x81: {  	_ =	shalt  }
0x82: {  	_ =	shalt  }
0x83: {  	_ =	shalt  }
0x84: {  	_ =	shalt  }
0x85: {  	_ =	shalt  }
0x86: {  	_ =	shalt  }
0x87: {  	_ =	shalt  }
.Lfunc_end0:
.L_simem_size_0:
called_computation_lowered:
.L_overlay_start_0:
0x88: {  	s2 =	sld [smem:$0x3FD9]  }
0x89: {  	s3 =	sld [smem:$0x3FFE];
	_ =	sdelay $0x1  }
0x8a: {  	s1 =	srdreg.scid  }
0x8b: {  	s0 =	sand.u32 $0x1, s1  }
0x8c: {  	s17 =	sshll.u32 s0, $0xA;
	s2 =	sadd.s32 s3, s2  }
0x8d: {  	s2 =	sadd.s32 s2, s17  }
0x8e: {  	[smem:$0x3FC4] =	sst s2  }
0x8f: {  	_ = 	snop  }
0x90: {  	s2 =	sld [smem:$0x3FD0];
	(tm) =	ssettm $0x1  }
0x91: {  	s18 =	sld [smem:$0x3FFB];
	_ =	sdelay $0x3  }
0x92: {  	_ =	strace s18  }
0x93: {  	s3 =	sld [smem:$0x3FFC];
	_ =	sdelay $0x3  }
0x94: {  	_ =	strace s3  }
0x95: {  	s3 =	sld [smem:$0x3FFD];
	_ =	sdelay $0x3  }
0x96: {  	_ =	strace s3  }
0x97: {  	_ =	strace $0x8FFFFFFF  }
0x98: {  	s19 =	sld [smem:$0x3FDB];
	_ =	sdelay $0x1  }
0x99: {  	s4 =	simm.s32 $_scs_section_size  }
0x9a: {  	s5 =	simm.s32 $_size__tile_overlayer_lowered;
	s6 =	simm.s32 $_tile_overlayer_lowered  }
0x9b: {  	s22 =	simm.s32 $0x1BFF;
	s21 =	sshll.u32 s6, $0x1;
	s3 =	sadd.s32 s4, s19  }
0x9c: {  	s7 =	simm.s32 $0x0;
	s20 =	sshll.u32 s5, $0x1;
	s5 =	sadd.s32 s21, s3  }
0x9d: {  	[timem:s7], [sflag:s22] =	dma.local [hbm:s5], s20  }
0x9e: {  	_ =	swait.ge [sflag:s22], s20  }
0x9f: {  	s4 =	ssub.s32 $0x0, s20;
	[sflag:s22] =	ssyncset.done $0x0  }
0xa0: {  	[sflag:s22] =	ssyncadd.s32 s4;
	_ =	sdelay $0x1  }
0xa1: {  	s23 =	simm.s32 $0x1B8B  }
0xa2: {  	_ =	swait.ge [sflag:s23], $0x1  }
0xa3: {  	[sflag:s23] =	ssyncset.done $0x0  }
0xa4: {  	s25 =	simm.s32 $0x1B8E;
	s24 =	sld [smem:$0x3FFE];
	[sflag:s23] =	ssyncadd.s32 $0xFFFFFFFF  }
0xa5: {  	s26 =	simm.s32 $execute0_lowered;
	[smem:$0x3FD2] =	sst s25  }
0xa6: {  	s5 =	sshll.u32 s26, $0x1;
	_ =	strace $0x80000046;
	[dreg:$0x1] =	wrdreg $0xFFFFFFFF  }
0xa7: {  	s28 =	simm.s32 $_size_execute0_lowered;
	s3 =	sadd.s32 s3, s5;
	[dreg:$0x0] =	wrdreg $0x0  }
0xa8: {  	s5 =	sshll.u32 s28, $0x1;
	[dreg:$0x2] =	wrdreg s3  }
0xa9: {  	[dreg:$0x3] =	wrdreg s5  }
0xaa: {  	[dreg:$0x4] =	wrdreg $0xC0  }
0xab: {  	_ =	task [dreg:s7], $0x5FFFF  }
0xac: {  	[dreg:$0x1] =	wrdreg $0xFFFFFFFF  }
0xad: {  	[dreg:$0x0] =	wrdreg $0x60  }
0xae: {  	[dreg:$0x2] =	wrdreg s24  }
0xaf: {  	[dreg:$0x3] =	wrdreg s2  }
0xb0: {  	[dreg:$0x4] =	wrdreg $0x9  }
0xb1: {  	_ =	task.clear_ibuf [dreg:s7], $0x5FFFF;
	_ =	strace $0x90000046  }
0xb2: {  	s29 =	simm.s32 $0x9;
	_ =	strace $0x80000048  }
0xb3: {  	_ =	swait.ge [sflag:s29], $0x1  }
0xb4: {  	[sflag:s29] =	ssyncadd.s32 $0xFFFFFFFF  }
0xb5: {  	_ =	strace $0x90000048  }
0xb6: {  	_ =	sfence  }
0xb7: {  	s30 =	sld [smem:$0x0];
	_ =	sdelay $0x2  }
0xb8: {  	s31 =	sshll.u32 s1, $0xD;
	s1 =	sshrl.u32 s1, $0x2  }
0xb9: {  	s3 =	sand.u32 $0x4000, s31;
	s1 =	sadd.s32 s1, s30  }
0xba: {  	s0 =	sor.u32 s3, s0;
	s1 =	sshll.u32 s1, $0x11  }
0xbb: {  	s0 =	sor.u32 s1, s0  }
0xbc: {  	s0 =	sadd.s32 $0x8F2B, s0  }
0xbd: {  	[sflag:s0] =	ssyncadd.remote.s32 $0x1  }
0xbe: {  	_ =	sfence.sel $0xFFFF  }
0xbf: {  	[dreg:$0x0] =	wrdreg $0xFFFFFFFF;
	(pc) =	sbr.abs _section_cstart, $3  }
0xc0: {  	[dreg:$0x1] =	wrdreg $0xFFFFFFFF  }
0xc1: {  	_ =	task.clear_ibuf [dreg:s7], $0x2FFFF;
	_ =	strace $0x9FFFFFFF  }
0xc2: {  	(tm) =	ssettm $0x7FFFFFFF  }
0xc3: {  	_ =	shalt  }
tec
execute0_lowered:
.L_overlay_start_1:
0x0: {  	(tag) =	ssettag $0x1  }
0x1: {  	s0 =	srdreg.scid;
	s4 =	rddreg [dreg:$0x0]  }
0x2: {  	s5 =	rddreg [dreg:$0x1];
	s3 =	sand.u32 $0x1, s0  }
0x3: {  	s2 =	simm.s32 $0x0;
	s0 =	stileid.u32;
	s1 =	sshll.u32 s3, $0x4  }
0x4: {  	s10 =	simm.s32 $0x4F00;
	s11 =	simm.s32 $0x7680;
	s6 =	sor.u32 s0, s1  }
0x5: {  	s12 =	simm.s32 $0x0;
	s3 =	ssub.s32 $0x2, s3;
	s7 =	smul.u32 $0x4E2, s6  }
0x6: {  	[smem:$0x7FF] =	sst s2;
	s8 =	sshrl.u32 s3, $0x1;
	s6 =	smul.u32 $0x4F0, s6  }
0x7: {  	s1 =	rddreg [dreg:$0x2];
	_ =	strace $0x80000047;
	s8 =	ssub.s32 s3, s8  }
0x8: {  	s7 =	sadd.s32 s7, s4;
	s9 =	sadd.s32 s6, s4;
	s5 =	sadd.s32 s5, s6  }
0x9: {  	s3 =	sadd.s32 $0xB600, s7;
	s4 =	sadd.s32 $0x1800, s7;
	s6 =	sadd.s32 $0x15400, s9  }
0xa: {  	v0 =	vimm.f32 $0.0e+00;
	v1 =	vimm.f32 $1.000000000e+00;
	s7 =	smax.u32 s8, $0x1;
	s8 =	simm.s32 $0x1;
	s9 =	simm.s32 $0x2780  }
.LBB2_1:
0xb: {  	s13 =	simm.s32 $0x40;
	s14 =	simm.s32 $0x0  }
.LBB2_2:
0xc: {  	p0 =	sne.s32 s13, $0x9DC0;
	[tilespmem:s14+$0x4F00] =	vst v0;
	s15 =	smov.u32 s13;
	s13 =	sadd.s32 $0x40, s13  }
.Ltmp0:
0xd: {  	[tilespmem:s14+$0x7680] =	vst v0;
	(pc) =	sbr.rel @p0 .LBB2_2-.Ltmp0, $2  }
0xe: {  	_ =	sdelay $0x2  }
0xf: {  	s14 =	sshra.s32 s15, $0x2  }
0x10: {  	[tilespmem:s14+$0x4F00] =	vst v0  }
0x11: {  	[tilespmem:s14+$0x7680] =	vst v0;
	s13 =	simm.s32 $0x0  }
0x12: {  	[tilespmem:s13], [sflag:$0x1] =	stream.linear.gather [hbm4b:s3+s13], $0x2710, $0x38;
	[tilespmem:$0x9E00] =	vst v63  }
0x13: {  	_ =	swait.ge [sflag:s8], $0x2710  }
0x14: {  	[sflag:s8] =	ssyncset.done $0x0  }
0x15: {  	[sflag:s8] =	ssyncadd.s32 $0xFFFFD8F0  }
0x16: {  	[tilespmem:s9], [sflag:$0x1] =	stream.linear.gather [hbm4b:s4+s13], $0x2710, $0x38;
	[tilespmem:$0x9E00] =	vst v63  }
0x17: {  	_ =	swait.ge [sflag:s8], $0x2710  }
0x18: {  	[sflag:s8] =	ssyncset.done $0x0  }
0x19: {  	s31 =	simm.s32 $0x0;
	[sflag:s8] =	ssyncadd.s32 $0xFFFFD8F0  }
0x1a: {  	v2 =	vld [tilespmem:s31+$0x2780]  }
0x1b: {  	s13 =	simm.s32 $0x40;
	v3 =	vld [tilespmem:s31+$0x0]  }
.LBB2_4:
0x1c: {  	p0 =	sne.s32 s13, $0x9C00;
	_ =	sdelay $0x3  }
0x1d: {  	vm0 =	veq.s32 v3, v2  }
0x1e: {  	v3 =	vsel vm0, $0x2710, v3;
	v2 =	vsel vm0, $0x2710, v2;
	_ =	sdelay $0x3  }
.Ltmp1:
0x1f: {  	(pc) =	sbr.rel @p0 .LBB2_4-.Ltmp1, $4  }
0x20: {  	[tilespmem:v3+s10+$0x0] =	vst.idx.add.f32.msk $0xffff, v1  }
0x21: {  	s14 =	sshra.s32 s13, $0x2;
	[tilespmem:v2+s11+$0x0] =	vst.idx.add.f32.msk $0xffff, v1  }
0x22: {  	v2 =	vld [tilespmem:s14+$0x2780]  }
0x23: {  	s13 =	sadd.s32 $0x40, s13;
	v3 =	vld [tilespmem:s14+$0x0]  }
0x24: {  	_ =	sdelay $0x3  }
0x25: {  	vm0 =	veq.s32 v3, v2  }
0x26: {  	v3 =	vsel vm0, $0x2710, v3  }
0x27: {  	v2 =	vsel vm0, $0x2710, v2;
	_ =	sdelay $0x3  }
0x28: {  	[tilespmem:v3+s10+$0x0] =	vst.idx.add.f32.msk $0xffff, v1  }
0x29: {  	[tilespmem:v2+s11+$0x0] =	vst.idx.add.f32.msk $0xffff, v1  }
0x2a: {  	[hbm4b:s5+s2] =	stream.linear.scatter [tilespmem:s10], [sflag:$0x1], $0x2780, $0x38;
	[tilespmem:$0x9E00] =	vst v63  }
0x2b: {  	s12 =	sadd.s32 $0x1, s12;
	_ =	swait.ge [sflag:s8], $0x2780  }
0x2c: {  	p0 =	sne.s32 s12, s7;
	[sflag:s8] =	ssyncset.done $0x0  }
.Ltmp2:
0x2d: {  	[sflag:s8] =	ssyncadd.s32 $0xFFFFD880;
	(pc) =	sbr.rel @p0 .LBB2_1-.Ltmp2, $4  }
0x2e: {  	[hbm4b:s6+s2] =	stream.linear.scatter [tilespmem:s11], [sflag:$0x1], $0x2780, $0x38;
	[tilespmem:$0x9E00] =	vst v63  }
0x2f: {  	_ =	swait.ge [sflag:s8], $0x2780  }
0x30: {  	[sflag:s8] =	ssyncset.done $0x0  }
0x31: {  	[sflag:s8] =	ssyncadd.s32 $0xFFFFD880  }
0x32: {  	_ =	sfence.sel $0x180000  }
0x33: {  	[bflag:$0x0] =	sbarrier.arrive $0xFFFF  }
0x34: {  	p0 =	sne.s32 s0, $0x0;
	_ =	strace $0x90000047  }
0x35: {  	s0 =	sadd.s32 @!p0 $0x100000, s1;
	[bflag:$0x2] =	sbarrier.arrive $0xFFFF  }
0x36: {  	[sflag:s0] =	ssyncadd.tile.s32 @!p0 $0x1;
	_ =	shalt  }
.Lfunc_end2:
_tile_overlayer_lowered:
.L_overlay_start_2:
0x37: {  	(tag) =	ssettag $0x2  }
0x38: {  	s0 =	rddreg [dreg:$0x0];
	s2 =	stileid.u32  }
0x39: {  	s1 =	rddreg [dreg:$0x1];
	p0 =	sne.s32 s2, $0x0  }
0x3a: {  	s3 =	rddreg [dreg:$0x2];
	[bflag:$0x3] =	sbarrier.arrive $0xFFFF;
	s2 =	simm.s32 @!p0 $0x1C01  }
0x3b: {  	[timem:s3], [sflag:s2] =	dma.local @!p0 [hbm:s0], s1  }
0x3c: {  	s0 =	simm.s32 @!p0 $0x1  }
0x3d: {  	_ =	swait.ge @!p0 [sflag:s0], s1  }
0x3e: {  	s1 =	ssub.s32 @!p0 $0x0, s1;
	[sflag:s0] =	ssyncset.done @!p0 $0x0  }
0x3f: {  	[sflag:s0] =	ssyncadd.s32 @!p0 s1  }
0x40: {  	[bflag:$0x3] =	sbarrier.arrive $0xFFFF  }
0x41: {  	_ =	shalt  }

</sc_bundles>
